<compile_context>
chip_gen: v7x
topology: tpu7x:2x2x1
jax: 0.10.2.dev20260603
libtpu: 0.0.44.dev20260713+nightly
codegen_flags: <defaults>
</compile_context>

<pallas_src>
import functools

import jax
import jax.numpy as jnp
from jax import lax
from jax.experimental import pallas as pl
from jax.experimental.pallas import tpu as pltpu
from jax.experimental.pallas import tpu_sc as plsc

B, At, Nbr, F = 2, 512, 16, 64
NW = 32
APW = (B * At) // NW
ROWS = At * Nbr
TBL = At * 64
CX = 4


PITCH = Nbr + 1


def _sc_mask_body(nbr_hbm, co_hbm, mask_hbm,
                  nbr_v, co_v, code_v, table_v, mask_v):
    nc = 2
    wid = lax.axis_index("s") * nc + lax.axis_index("c")
    b = wid // Nbr
    pltpu.sync_copy(nbr_hbm.at[b], nbr_v)
    pltpu.sync_copy(co_hbm.at[b], co_v)

    zero16 = jnp.zeros((16,), jnp.int32)

    def zero_body(k, carry):
        for u in range(8):
            table_v[pl.ds((k * 8 + u) * 16, 16)] = zero16
        return carry

    lax.fori_loop(0, TBL // 128, zero_body, 0)

    lanes = lax.iota(jnp.int32, 16)
    lanesP = lanes * PITCH

    def enc_body(g, carry):
        pb = g * 16
        s = pl.ds(pb, 16)
        for y in range(Nbr):
            c0 = co_v[0, y, s].astype(jnp.int32)
            c1 = co_v[1, y, s].astype(jnp.int32)
            c2 = co_v[2, y, s].astype(jnp.int32)
            code = ((nbr_v[y, s] << 6)
                    + ((c0 + 1) << 4) + ((c1 + 1) << 2) + (c2 + 1))
            plsc.store_scatter(code_v, [lanesP + (pb * PITCH + y)], code)
        return carry

    lax.fori_loop(0, At // 16, enc_body, 0)

    xw = wid - b * Nbr
    notx = jnp.where(lanes != xw, 1.0, 0.0)
    xsplat = jnp.full((16,), xw, jnp.int32)

    U = 16

    def atom_body(g, carry):
        pre = []
        for u in range(U):
            aa = g * U + u
            acode = code_v[pl.ds(aa * PITCH, 16)]
            j = (jnp.take(acode, xsplat) >> 6)[0]
            jrow = code_v[pl.ds(j * PITCH, 16)]
            pre.append((aa, acode, jrow))
        for aa, acode, jrow in pre:
            mvec = jnp.full((16,), aa + 1, jnp.int32)
            plsc.store_scatter(table_v, [jrow], mvec)
            hit = plsc.load_gather(table_v, [acode])
            m = jnp.where(hit == mvec, 1.0, 0.0) * notx
            plsc.store_scatter(mask_v, [lanes, jnp.full((16,), aa, jnp.int32)], m)
        return carry

    lax.fori_loop(0, At // U, atom_body, 0)

    pltpu.sync_copy(
        mask_v.at[:, pl.ds(0, At)],
        mask_hbm.at[pl.ds(xw * Nbr, Nbr), pl.ds(b * At, At)])


@functools.lru_cache(maxsize=1)
def _sc_mask_fn():
    return pl.kernel(
        _sc_mask_body,
        out_type=jax.ShapeDtypeStruct((Nbr * Nbr, B * At), jnp.float32),
        mesh=plsc.VectorSubcoreMesh(core_axis_name="c", subcore_axis_name="s"),
        scratch_types=[
            pltpu.VMEM((Nbr, At), jnp.int32),
            pltpu.VMEM((3, Nbr, At), jnp.float32),
            pltpu.VMEM((At * PITCH,), jnp.int32),
            pltpu.VMEM((TBL,), jnp.int32),
            pltpu.VMEM((Nbr, At + 8), jnp.float32),
        ],
        compiler_params=pltpu.CompilerParams(needs_layout_passes=False),
    )


def _tc_expand_body(mask_ref, ee_ref, out_ref):
    mt3 = mask_ref[...].reshape(CX, Nbr, At)
    ee3 = ee_ref[0]
    out_ref[0] = mt3[:, :, None, :] * ee3[None]


def kernel(edge_embedding, nbr_idx, cell_offset):
    nbr_t = jnp.transpose(nbr_idx, (0, 2, 1))
    co_t = jnp.transpose(cell_offset, (0, 3, 2, 1))
    ee_t = jnp.transpose(edge_embedding, (0, 2, 3, 1))

    mask_t = _sc_mask_fn()(nbr_t, co_t)

    out_t = pl.pallas_call(
        _tc_expand_body,
        grid=(B, Nbr // CX),
        in_specs=[
            pl.BlockSpec((CX * Nbr, At), lambda b, xc: (xc, b)),
            pl.BlockSpec((1, Nbr, F, At), lambda b, xc: (b, 0, 0, 0)),
        ],
        out_specs=pl.BlockSpec((1, CX, Nbr, F, At),
                               lambda b, xc: (b, xc, 0, 0, 0)),
        out_shape=jax.ShapeDtypeStruct((B, Nbr, Nbr, F, At), jnp.float32),
    )(mask_t, ee_t)
    return jnp.transpose(out_t, (0, 4, 1, 2, 3))

# --- scband reference (transcript-rebuilt; emitter-appended) ---
"""Pipeline reference for scband-get-edge-jk-80659485818992 (READ-ONLY COPY).

The authoritative reference and input builder live on the scoring server;
editing this copy changes nothing except your own understanding.
"""

import jax, jax.numpy as jnp
import numpy as np


def setup_inputs(seed: int = 0) -> dict:
    key = jax.random.key(seed)
    k1, k2, k3 = jax.random.split(key, 3)
    B, At, Nbr, F = 2, 512, 16, 64
    edge_embedding = jax.random.normal(k1, (B, At, Nbr, F), dtype=jnp.float32)
    nbr_idx = jax.random.randint(k2, (B, At, Nbr), 0, At, dtype=jnp.int32)
    # cell offsets are small integer lattice shifts in {-1, 0, 1}, stored as float
    cell_offset = jax.random.randint(k3, (B, At, Nbr, 3), 0, 3).astype(jnp.float32) - 1.0
    return {"edge_embedding": edge_embedding, "nbr_idx": nbr_idx, "cell_offset": cell_offset}


def reference(edge_embedding, nbr_idx, cell_offset):
    B, At, Nbr, F = edge_embedding.shape
    # j_nbr_idx[b,a,x,y] = nbr_idx[b, nbr_idx[b,a,x], y]  (neighbor-of-neighbor)
    j_nbr_idx = jax.vmap(lambda nb: nb[nb])(nbr_idx)  # [B, At, Nbr, Nbr]
    eye = jnp.eye(Nbr, dtype=nbr_idx.dtype)
    # k_masked[b,a,x,i] = nbr_idx[b,a,i] off-diagonal, -1 on diagonal (x==i)
    k_masked = nbr_idx[:, :, None, :] * (1 - eye)[None, None] - eye[None, None]  # [B, At, Nbr, Nbr]
    # eq_idx[b,a,x,i,y] = (j_nbr_idx[b,a,x,y] == k_masked[b,a,x,i])
    eq_idx = j_nbr_idx[:, :, :, None, :] == k_masked[:, :, :, :, None]  # [B, At, Nbr, Nbr, Nbr]
    # co_nbr[b,a,x,y,c] = cell_offset[b, nbr_idx[b,a,x], y, c]
    co_nbr = jax.vmap(lambda co, nb: co[nb])(cell_offset, nbr_idx)  # [B, At, Nbr, Nbr, 3]
    # pos_eq[b,a,x,i,y] = all_c(cell_offset[b,a,i,c] == co_nbr[b,a,x,y,c])
    pos_eq = jnp.all(
        cell_offset[:, :, None, :, None, :] == co_nbr[:, :, :, None, :, :], axis=-1
    )  # [B, At, Nbr, Nbr, Nbr]
    # mask[b,a,x,i] = any_y(eq_idx & pos_eq)
    mask = jnp.any(eq_idx & pos_eq, axis=-1)  # [B, At, Nbr, Nbr]
    # edge_jk[b,a,x,i,:] = edge_embedding[b,a,i,:] where mask else 0
    edge_jk = jnp.where(mask[..., None], edge_embedding[:, :, None, :, :], 0.0)
    return edge_jk

if __name__ == "__main__":
    import jax
    _d = setup_inputs()
    print(jax.jit(kernel)(*tuple(_d.values())))

</pallas_src>

<mosaic_0001>
#map = affine_map<(d0, d1) -> (0, 0, 0)>
#map1 = affine_map<(d0, d1) -> (0, 0, 0, 0)>
#map2 = affine_map<(d0, d1) -> (0, 0)>
module attributes {stable_mosaic.version = 14 : i64} {
  func.func @_sc_mask_body(%arg0: i32, %arg1: i32, %arg2: memref<2x16x512xi32, #tpu.memory_space<hbm>>, %arg3: memref<2x3x16x512xf32, #tpu.memory_space<hbm>>, %arg4: memref<256x1024xf32, #tpu.memory_space<hbm>>, %arg5: memref<16x512xi32, #tpu.memory_space<vmem>>, %arg6: memref<3x16x512xf32, #tpu.memory_space<vmem>>, %arg7: memref<8704xi32, #tpu.memory_space<vmem>>, %arg8: memref<32768xi32, #tpu.memory_space<vmem>>, %arg9: memref<16x520xf32, #tpu.memory_space<vmem>>) attributes {dimension_semantics = [#tpu.dimension_semantics<core_parallel>, #tpu.dimension_semantics<subcore_parallel>], iteration_bounds = array<i64: 2, 16>, scalar_prefetch = 0 : i64, scratch_operands = 5 : i64, tpu.core_type = #tpu.core_type<sc_vector_subcore>, window_params = [{transform_indices = #map}, {transform_indices = #map1}, {transform_indices = #map2}]} {
    %mul3A = arith.constant 2 : i32
    %mul3A_0 = arith.muli %arg1, %mul3A : i32
    %add3A = arith.addi %mul3A_0, %arg0 : i32
    %jit3A = arith.constant 16 : i32
    %div3A = arith.divsi %add3A, %jit3A : i32
    %sign3A = arith.constant 0 : i32
    %sign3A_1 = arith.cmpi sgt, %add3A, %sign3A : i32
    %sign3A_2 = arith.extui %sign3A_1 : i1 to i32
    %sign3A_3 = arith.constant 0 : i32
    %sign3A_4 = arith.cmpi slt, %add3A, %sign3A_3 : i32
    %sign3A_5 = arith.extui %sign3A_4 : i1 to i32
    %sign3A_6 = arith.subi %sign3A_2, %sign3A_5 : i32
    %sign3A_7 = arith.constant 0 : i32
    %sign3A_8 = arith.cmpi sgt, %jit3A, %sign3A_7 : i32
    %sign3A_9 = arith.extui %sign3A_8 : i1 to i32
    %sign3A_10 = arith.constant 0 : i32
    %sign3A_11 = arith.cmpi slt, %jit3A, %sign3A_10 : i32
    %sign3A_12 = arith.extui %sign3A_11 : i1 to i32
    %sign3A_13 = arith.subi %sign3A_9, %sign3A_12 : i32
    %ne3A = arith.cmpi ne, %sign3A_6, %sign3A_13 : i32
    %rem3A = arith.remsi %add3A, %jit3A : i32
    %ne3A_14 = arith.constant 0 : i32
    %ne3A_15 = arith.cmpi ne, %rem3A, %ne3A_14 : i32
    %and3A = arith.andi %ne3A, %ne3A_15 : i1
    %sub3A = arith.constant 1 : i32
    %sub3A_16 = arith.subi %div3A, %sub3A : i32
    %select_n3A = arith.select %and3A, %sub3A_16, %div3A : i32
    "tpu.region"() ({
      %run_scoped3A = tpu.sem_alloc : memref<!tpu.dma_semaphore, #tpu.memory_space<semaphore_mem>>
      %dma_start3A = arith.constant 0 : i32
      %dma_start3A_53 = arith.constant 0 : i32
      %dma_start3A_54 = tpu.memref_slice %arg2[%select_n3A, %dma_start3A, %dma_start3A_53] : memref<2x16x512xi32, #tpu.memory_space<hbm>> -> memref<1x16x512xi32, #tpu.memory_space<hbm>>
      %dma_start3A_55 = tpu.memref_squeeze %dma_start3A_54 : memref<1x16x512xi32, #tpu.memory_space<hbm>> -> memref<16x512xi32, #tpu.memory_space<hbm>>
      %dma_start3A_56 = arith.constant 0 : i32
      %dma_start3A_57 = arith.constant 0 : i32
      %dma_start3A_58 = tpu.memref_slice %arg2[%select_n3A, %dma_start3A_56, %dma_start3A_57] : memref<2x16x512xi32, #tpu.memory_space<hbm>> -> memref<1x16x512xi32, #tpu.memory_space<hbm>>
      %dma_start3A_59 = tpu.memref_squeeze %dma_start3A_58 : memref<1x16x512xi32, #tpu.memory_space<hbm>> -> memref<16x512xi32, #tpu.memory_space<hbm>>
      tpu.enqueue_dma source(%dma_start3A_59 : memref<16x512xi32, #tpu.memory_space<hbm>>) target(%arg5 : memref<16x512xi32, #tpu.memory_space<vmem>>) target_semaphore(%run_scoped3A : memref<!tpu.dma_semaphore, #tpu.memory_space<semaphore_mem>>)
      %dma_wait3A = arith.constant 0 : i32
      %dma_wait3A_60 = arith.constant 0 : i32
      %dma_wait3A_61 = tpu.memref_slice %arg2[%select_n3A, %dma_wait3A, %dma_wait3A_60] : memref<2x16x512xi32, #tpu.memory_space<hbm>> -> memref<1x16x512xi32, #tpu.memory_space<hbm>>
      %dma_wait3A_62 = tpu.memref_squeeze %dma_wait3A_61 : memref<1x16x512xi32, #tpu.memory_space<hbm>> -> memref<16x512xi32, #tpu.memory_space<hbm>>
      %dma_wait3A_63 = arith.constant 0 : i32
      %dma_wait3A_64 = arith.constant 0 : i32
      %dma_wait3A_65 = tpu.memref_slice %arg2[%select_n3A, %dma_wait3A_63, %dma_wait3A_64] : memref<2x16x512xi32, #tpu.memory_space<hbm>> -> memref<1x16x512xi32, #tpu.memory_space<hbm>>
      %dma_wait3A_66 = tpu.memref_squeeze %dma_wait3A_65 : memref<1x16x512xi32, #tpu.memory_space<hbm>> -> memref<16x512xi32, #tpu.memory_space<hbm>>
      tpu.wait_dma2 semaphore(%run_scoped3A : memref<!tpu.dma_semaphore, #tpu.memory_space<semaphore_mem>>) src(%dma_wait3A_66 : memref<16x512xi32, #tpu.memory_space<hbm>>) dst(%arg5 : memref<16x512xi32, #tpu.memory_space<vmem>>)
      tpu.yield
    }) : () -> ()
    "tpu.region"() ({
      %run_scoped3A = tpu.sem_alloc : memref<!tpu.dma_semaphore, #tpu.memory_space<semaphore_mem>>
      %dma_start3A = arith.constant 0 : i32
      %dma_start3A_53 = arith.constant 0 : i32
      %dma_start3A_54 = arith.constant 0 : i32
      %dma_start3A_55 = tpu.memref_slice %arg3[%select_n3A, %dma_start3A, %dma_start3A_53, %dma_start3A_54] : memref<2x3x16x512xf32, #tpu.memory_space<hbm>> -> memref<1x3x16x512xf32, #tpu.memory_space<hbm>>
      %dma_start3A_56 = tpu.memref_squeeze %dma_start3A_55 : memref<1x3x16x512xf32, #tpu.memory_space<hbm>> -> memref<3x16x512xf32, #tpu.memory_space<hbm>>
      %dma_start3A_57 = arith.constant 0 : i32
      %dma_start3A_58 = arith.constant 0 : i32
      %dma_start3A_59 = arith.constant 0 : i32
      %dma_start3A_60 = tpu.memref_slice %arg3[%select_n3A, %dma_start3A_57, %dma_start3A_58, %dma_start3A_59] : memref<2x3x16x512xf32, #tpu.memory_space<hbm>> -> memref<1x3x16x512xf32, #tpu.memory_space<hbm>>
      %dma_start3A_61 = tpu.memref_squeeze %dma_start3A_60 : memref<1x3x16x512xf32, #tpu.memory_space<hbm>> -> memref<3x16x512xf32, #tpu.memory_space<hbm>>
      tpu.enqueue_dma source(%dma_start3A_61 : memref<3x16x512xf32, #tpu.memory_space<hbm>>) target(%arg6 : memref<3x16x512xf32, #tpu.memory_space<vmem>>) target_semaphore(%run_scoped3A : memref<!tpu.dma_semaphore, #tpu.memory_space<semaphore_mem>>)
      %dma_wait3A = arith.constant 0 : i32
      %dma_wait3A_62 = arith.constant 0 : i32
      %dma_wait3A_63 = arith.constant 0 : i32
      %dma_wait3A_64 = tpu.memref_slice %arg3[%select_n3A, %dma_wait3A, %dma_wait3A_62, %dma_wait3A_63] : memref<2x3x16x512xf32, #tpu.memory_space<hbm>> -> memref<1x3x16x512xf32, #tpu.memory_space<hbm>>
      %dma_wait3A_65 = tpu.memref_squeeze %dma_wait3A_64 : memref<1x3x16x512xf32, #tpu.memory_space<hbm>> -> memref<3x16x512xf32, #tpu.memory_space<hbm>>
      %dma_wait3A_66 = arith.constant 0 : i32
      %dma_wait3A_67 = arith.constant 0 : i32
      %dma_wait3A_68 = arith.constant 0 : i32
      %dma_wait3A_69 = tpu.memref_slice %arg3[%select_n3A, %dma_wait3A_66, %dma_wait3A_67, %dma_wait3A_68] : memref<2x3x16x512xf32, #tpu.memory_space<hbm>> -> memref<1x3x16x512xf32, #tpu.memory_space<hbm>>
      %dma_wait3A_70 = tpu.memref_squeeze %dma_wait3A_69 : memref<1x3x16x512xf32, #tpu.memory_space<hbm>> -> memref<3x16x512xf32, #tpu.memory_space<hbm>>
      tpu.wait_dma2 semaphore(%run_scoped3A : memref<!tpu.dma_semaphore, #tpu.memory_space<semaphore_mem>>) src(%dma_wait3A_70 : memref<3x16x512xf32, #tpu.memory_space<hbm>>) dst(%arg6 : memref<3x16x512xf32, #tpu.memory_space<vmem>>)
      tpu.yield
    }) : () -> ()
    %broadcast_in_dim3A = arith.constant 0 : i32
    %broadcast_in_dim3A_17 = vector.broadcast %broadcast_in_dim3A : i32 to vector<16xi32>
    %scan3A = arith.constant 0 : i32
    %scan3A_18 = arith.constant 0 : i32
    %scan3A_19 = arith.constant 256 : i32
    %scan3A_20 = arith.addi %scan3A_18, %scan3A_19 : i32
    %scan3A_21 = arith.constant 1 : i32
    scf.for %scan3A_53 = %scan3A_18 to %scan3A_20 step %scan3A_21  : i32 {
      %mul3A_54 = arith.constant 8 : i32
      %mul3A_55 = arith.muli %scan3A_53, %mul3A_54 : i32
      %add3A_56 = arith.constant 0 : i32
      %add3A_57 = arith.addi %mul3A_55, %add3A_56 : i32
      %mul3A_58 = arith.constant 16 : i32
      %mul3A_59 = arith.muli %add3A_57, %mul3A_58 : i32
      %swap3A = arith.index_cast %mul3A_59 : i32 to index
      %swap3A_60 = tpu.vector_load %arg8[%swap3A] {strides = array<i32>} : memref<32768xi32, #tpu.memory_space<vmem>>, vector<16xi32>,
      tpu.vector_store %arg8[%swap3A], %broadcast_in_dim3A_17 {strides = array<i32>} : memref<32768xi32, #tpu.memory_space<vmem>>, vector<16xi32>,
      %mul3A_61 = arith.constant 8 : i32
      %mul3A_62 = arith.muli %scan3A_53, %mul3A_61 : i32
      %add3A_63 = arith.constant 1 : i32
      %add3A_64 = arith.addi %mul3A_62, %add3A_63 : i32
      %mul3A_65 = arith.constant 16 : i32
      %mul3A_66 = arith.muli %add3A_64, %mul3A_65 : i32
      %swap3A_67 = arith.index_cast %mul3A_66 : i32 to index
      %swap3A_68 = tpu.vector_load %arg8[%swap3A_67] {strides = array<i32>} : memref<32768xi32, #tpu.memory_space<vmem>>, vector<16xi32>,
      tpu.vector_store %arg8[%swap3A_67], %broadcast_in_dim3A_17 {strides = array<i32>} : memref<32768xi32, #tpu.memory_space<vmem>>, vector<16xi32>,
      %mul3A_69 = arith.constant 8 : i32
      %mul3A_70 = arith.muli %scan3A_53, %mul3A_69 : i32
      %add3A_71 = arith.constant 2 : i32
      %add3A_72 = arith.addi %mul3A_70, %add3A_71 : i32
      %mul3A_73 = arith.constant 16 : i32
      %mul3A_74 = arith.muli %add3A_72, %mul3A_73 : i32
      %swap3A_75 = arith.index_cast %mul3A_74 : i32 to index
      %swap3A_76 = tpu.vector_load %arg8[%swap3A_75] {strides = array<i32>} : memref<32768xi32, #tpu.memory_space<vmem>>, vector<16xi32>,
      tpu.vector_store %arg8[%swap3A_75], %broadcast_in_dim3A_17 {strides = array<i32>} : memref<32768xi32, #tpu.memory_space<vmem>>, vector<16xi32>,
      %mul3A_77 = arith.constant 8 : i32
      %mul3A_78 = arith.muli %scan3A_53, %mul3A_77 : i32
      %add3A_79 = arith.constant 3 : i32
      %add3A_80 = arith.addi %mul3A_78, %add3A_79 : i32
      %mul3A_81 = arith.constant 16 : i32
      %mul3A_82 = arith.muli %add3A_80, %mul3A_81 : i32
      %swap3A_83 = arith.index_cast %mul3A_82 : i32 to index
      %swap3A_84 = tpu.vector_load %arg8[%swap3A_83] {strides = array<i32>} : memref<32768xi32, #tpu.memory_space<vmem>>, vector<16xi32>,
      tpu.vector_store %arg8[%swap3A_83], %broadcast_in_dim3A_17 {strides = array<i32>} : memref<32768xi32, #tpu.memory_space<vmem>>, vector<16xi32>,
      %mul3A_85 = arith.constant 8 : i32
      %mul3A_86 = arith.muli %scan3A_53, %mul3A_85 : i32
      %add3A_87 = arith.constant 4 : i32
      %add3A_88 = arith.addi %mul3A_86, %add3A_87 : i32
      %mul3A_89 = arith.constant 16 : i32
      %mul3A_90 = arith.muli %add3A_88, %mul3A_89 : i32
      %swap3A_91 = arith.index_cast %mul3A_90 : i32 to index
      %swap3A_92 = tpu.vector_load %arg8[%swap3A_91] {strides = array<i32>} : memref<32768xi32, #tpu.memory_space<vmem>>, vector<16xi32>,
      tpu.vector_store %arg8[%swap3A_91], %broadcast_in_dim3A_17 {strides = array<i32>} : memref<32768xi32, #tpu.memory_space<vmem>>, vector<16xi32>,
      %mul3A_93 = arith.constant 8 : i32
      %mul3A_94 = arith.muli %scan3A_53, %mul3A_93 : i32
      %add3A_95 = arith.constant 5 : i32
      %add3A_96 = arith.addi %mul3A_94, %add3A_95 : i32
      %mul3A_97 = arith.constant 16 : i32
      %mul3A_98 = arith.muli %add3A_96, %mul3A_97 : i32
      %swap3A_99 = arith.index_cast %mul3A_98 : i32 to index
      %swap3A_100 = tpu.vector_load %arg8[%swap3A_99] {strides = array<i32>} : memref<32768xi32, #tpu.memory_space<vmem>>, vector<16xi32>,
      tpu.vector_store %arg8[%swap3A_99], %broadcast_in_dim3A_17 {strides = array<i32>} : memref<32768xi32, #tpu.memory_space<vmem>>, vector<16xi32>,
      %mul3A_101 = arith.constant 8 : i32
      %mul3A_102 = arith.muli %scan3A_53, %mul3A_101 : i32
      %add3A_103 = arith.constant 6 : i32
      %add3A_104 = arith.addi %mul3A_102, %add3A_103 : i32
      %mul3A_105 = arith.constant 16 : i32
      %mul3A_106 = arith.muli %add3A_104, %mul3A_105 : i32
      %swap3A_107 = arith.index_cast %mul3A_106 : i32 to index
      %swap3A_108 = tpu.vector_load %arg8[%swap3A_107] {strides = array<i32>} : memref<32768xi32, #tpu.memory_space<vmem>>, vector<16xi32>,
      tpu.vector_store %arg8[%swap3A_107], %broadcast_in_dim3A_17 {strides = array<i32>} : memref<32768xi32, #tpu.memory_space<vmem>>, vector<16xi32>,
      %mul3A_109 = arith.constant 8 : i32
      %mul3A_110 = arith.muli %scan3A_53, %mul3A_109 : i32
      %add3A_111 = arith.constant 7 : i32
      %add3A_112 = arith.addi %mul3A_110, %add3A_111 : i32
      %mul3A_113 = arith.constant 16 : i32
      %mul3A_114 = arith.muli %add3A_112, %mul3A_113 : i32
      %swap3A_115 = arith.index_cast %mul3A_114 : i32 to index
      %swap3A_116 = tpu.vector_load %arg8[%swap3A_115] {strides = array<i32>} : memref<32768xi32, #tpu.memory_space<vmem>>, vector<16xi32>,
      tpu.vector_store %arg8[%swap3A_115], %broadcast_in_dim3A_17 {strides = array<i32>} : memref<32768xi32, #tpu.memory_space<vmem>>, vector<16xi32>,
    }
    %scan3A_22 = arith.constant 256 : i32
    %iota3A = tpu.iota {dimensions = array<i32: 0>} : vector<16xi32>
    %mul3A_23 = arith.constant 17 : i32
    %mul3A_24 = vector.broadcast %mul3A_23 : i32 to vector<16xi32>
    %mul3A_25 = arith.muli %iota3A, %mul3A_24 : vector<16xi32>
    %scan3A_26 = arith.constant 0 : i32
    %scan3A_27 = arith.constant 0 : i32
    %scan3A_28 = arith.constant 32 : i32
    %scan3A_29 = arith.addi %scan3A_27, %scan3A_28 : i32
    %scan3A_30 = arith.constant 1 : i32
    scf.for %scan3A_53 = %scan3A_27 to %scan3A_29 step %scan3A_30  : i32 {
      %mul3A_54 = arith.constant 16 : i32
      %mul3A_55 = arith.muli %scan3A_53, %mul3A_54 : i32
      %get3A = arith.constant 0 : i32
      %get3A_56 = arith.constant 0 : i32
      %get3A_57 = arith.index_cast %get3A : i32 to index
      %get3A_58 = arith.index_cast %get3A_56 : i32 to index
      %get3A_59 = arith.index_cast %mul3A_55 : i32 to index
      %get3A_60 = tpu.vector_load %arg6[%get3A_57, %get3A_58, %get3A_59] {strides = array<i32>} : memref<3x16x512xf32, #tpu.memory_space<vmem>>, vector<16xf32>,
      %convert_element_type3A = arith.fptosi %get3A_60 : vector<16xf32> to vector<16xi32>
      %get3A_61 = arith.constant 1 : i32
      %get3A_62 = arith.constant 0 : i32
      %get3A_63 = arith.index_cast %get3A_61 : i32 to index
      %get3A_64 = arith.index_cast %get3A_62 : i32 to index
      %get3A_65 = arith.index_cast %mul3A_55 : i32 to index
      %get3A_66 = tpu.vector_load %arg6[%get3A_63, %get3A_64, %get3A_65] {strides = array<i32>} : memref<3x16x512xf32, #tpu.memory_space<vmem>>, vector<16xf32>,
      %convert_element_type3A_67 = arith.fptosi %get3A_66 : vector<16xf32> to vector<16xi32>
      %get3A_68 = arith.constant 2 : i32
      %get3A_69 = arith.constant 0 : i32
      %get3A_70 = arith.index_cast %get3A_68 : i32 to index
      %get3A_71 = arith.index_cast %get3A_69 : i32 to index
      %get3A_72 = arith.index_cast %mul3A_55 : i32 to index
      %get3A_73 = tpu.vector_load %arg6[%get3A_70, %get3A_71, %get3A_72] {strides = array<i32>} : memref<3x16x512xf32, #tpu.memory_space<vmem>>, vector<16xf32>,
      %convert_element_type3A_74 = arith.fptosi %get3A_73 : vector<16xf32> to vector<16xi32>
      %get3A_75 = arith.constant 0 : i32
      %get3A_76 = arith.index_cast %get3A_75 : i32 to index
      %get3A_77 = arith.index_cast %mul3A_55 : i32 to index
      %get3A_78 = tpu.vector_load %arg5[%get3A_76, %get3A_77] {strides = array<i32>} : memref<16x512xi32, #tpu.memory_space<vmem>>, vector<16xi32>,
      %shift_left3A = arith.constant 6 : i32
      %shift_left3A_79 = vector.broadcast %shift_left3A : i32 to vector<16xi32>
      %shift_left3A_80 = arith.shli %get3A_78, %shift_left3A_79 : vector<16xi32>
      %add3A_81 = arith.constant 1 : i32
      %add3A_82 = vector.broadcast %add3A_81 : i32 to vector<16xi32>
      %add3A_83 = arith.addi %convert_element_type3A, %add3A_82 : vector<16xi32>
      %shift_left3A_84 = arith.constant 4 : i32
      %shift_left3A_85 = vector.broadcast %shift_left3A_84 : i32 to vector<16xi32>
      %shift_left3A_86 = arith.shli %add3A_83, %shift_left3A_85 : vector<16xi32>
      %add3A_87 = arith.addi %shift_left3A_80, %shift_left3A_86 : vector<16xi32>
      %add3A_88 = arith.constant 1 : i32
      %add3A_89 = vector.broadcast %add3A_88 : i32 to vector<16xi32>
      %add3A_90 = arith.addi %convert_element_type3A_67, %add3A_89 : vector<16xi32>
      %shift_left3A_91 = arith.constant 2 : i32
      %shift_left3A_92 = vector.broadcast %shift_left3A_91 : i32 to vector<16xi32>
      %shift_left3A_93 = arith.shli %add3A_90, %shift_left3A_92 : vector<16xi32>
      %add3A_94 = arith.addi %add3A_87, %shift_left3A_93 : vector<16xi32>
      %add3A_95 = arith.constant 1 : i32
      %add3A_96 = vector.broadcast %add3A_95 : i32 to vector<16xi32>
      %add3A_97 = arith.addi %convert_element_type3A_74, %add3A_96 : vector<16xi32>
      %add3A_98 = arith.addi %add3A_94, %add3A_97 : vector<16xi32>
      %mul3A_99 = arith.constant 17 : i32
      %mul3A_100 = arith.muli %mul3A_55, %mul3A_99 : i32
      %add3A_101 = arith.constant 0 : i32
      %add3A_102 = arith.addi %mul3A_100, %add3A_101 : i32
      %add3A_103 = vector.broadcast %add3A_102 : i32 to vector<16xi32>
      %add3A_104 = arith.addi %mul3A_25, %add3A_103 : vector<16xi32>
      tpu.vector_store_idx %arg7[%add3A_104], %add3A_98 : memref<8704xi32, #tpu.memory_space<vmem>>[vector<16xi32>], vector<16xi32>,
      %get3A_105 = arith.constant 0 : i32
      %get3A_106 = arith.constant 1 : i32
      %get3A_107 = arith.index_cast %get3A_105 : i32 to index
      %get3A_108 = arith.index_cast %get3A_106 : i32 to index
      %get3A_109 = arith.index_cast %mul3A_55 : i32 to index
      %get3A_110 = tpu.vector_load %arg6[%get3A_107, %get3A_108, %get3A_109] {strides = array<i32>} : memref<3x16x512xf32, #tpu.memory_space<vmem>>, vector<16xf32>,
      %convert_element_type3A_111 = arith.fptosi %get3A_110 : vector<16xf32> to vector<16xi32>
      %get3A_112 = arith.constant 1 : i32
      %get3A_113 = arith.constant 1 : i32
      %get3A_114 = arith.index_cast %get3A_112 : i32 to index
      %get3A_115 = arith.index_cast %get3A_113 : i32 to index
      %get3A_116 = arith.index_cast %mul3A_55 : i32 to index
      %get3A_117 = tpu.vector_load %arg6[%get3A_114, %get3A_115, %get3A_116] {strides = array<i32>} : memref<3x16x512xf32, #tpu.memory_space<vmem>>, vector<16xf32>,
      %convert_element_type3A_118 = arith.fptosi %get3A_117 : vector<16xf32> to vector<16xi32>
      %get3A_119 = arith.constant 2 : i32
      %get3A_120 = arith.constant 1 : i32
      %get3A_121 = arith.index_cast %get3A_119 : i32 to index
      %get3A_122 = arith.index_cast %get3A_120 : i32 to index
      %get3A_123 = arith.index_cast %mul3A_55 : i32 to index
      %get3A_124 = tpu.vector_load %arg6[%get3A_121, %get3A_122, %get3A_123] {strides = array<i32>} : memref<3x16x512xf32, #tpu.memory_space<vmem>>, vector<16xf32>,
      %convert_element_type3A_125 = arith.fptosi %get3A_124 : vector<16xf32> to vector<16xi32>
      %get3A_126 = arith.constant 1 : i32
      %get3A_127 = arith.index_cast %get3A_126 : i32 to index
      %get3A_128 = arith.index_cast %mul3A_55 : i32 to index
      %get3A_129 = tpu.vector_load %arg5[%get3A_127, %get3A_128] {strides = array<i32>} : memref<16x512xi32, #tpu.memory_space<vmem>>, vector<16xi32>,
      %shift_left3A_130 = arith.constant 6 : i32
      %shift_left3A_131 = vector.broadcast %shift_left3A_130 : i32 to vector<16xi32>
      %shift_left3A_132 = arith.shli %get3A_129, %shift_left3A_131 : vector<16xi32>
      %add3A_133 = arith.constant 1 : i32
      %add3A_134 = vector.broadcast %add3A_133 : i32 to vector<16xi32>
      %add3A_135 = arith.addi %convert_element_type3A_111, %add3A_134 : vector<16xi32>
      %shift_left3A_136 = arith.constant 4 : i32
      %shift_left3A_137 = vector.broadcast %shift_left3A_136 : i32 to vector<16xi32>
      %shift_left3A_138 = arith.shli %add3A_135, %shift_left3A_137 : vector<16xi32>
      %add3A_139 = arith.addi %shift_left3A_132, %shift_left3A_138 : vector<16xi32>
      %add3A_140 = arith.constant 1 : i32
      %add3A_141 = vector.broadcast %add3A_140 : i32 to vector<16xi32>
      %add3A_142 = arith.addi %convert_element_type3A_118, %add3A_141 : vector<16xi32>
      %shift_left3A_143 = arith.constant 2 : i32
      %shift_left3A_144 = vector.broadcast %shift_left3A_143 : i32 to vector<16xi32>
      %shift_left3A_145 = arith.shli %add3A_142, %shift_left3A_144 : vector<16xi32>
      %add3A_146 = arith.addi %add3A_139, %shift_left3A_145 : vector<16xi32>
      %add3A_147 = arith.constant 1 : i32
      %add3A_148 = vector.broadcast %add3A_147 : i32 to vector<16xi32>
      %add3A_149 = arith.addi %convert_element_type3A_125, %add3A_148 : vector<16xi32>
      %add3A_150 = arith.addi %add3A_146, %add3A_149 : vector<16xi32>
      %mul3A_151 = arith.constant 17 : i32
      %mul3A_152 = arith.muli %mul3A_55, %mul3A_151 : i32
      %add3A_153 = arith.constant 1 : i32
      %add3A_154 = arith.addi %mul3A_152, %add3A_153 : i32
      %add3A_155 = vector.broadcast %add3A_154 : i32 to vector<16xi32>
      %add3A_156 = arith.addi %mul3A_25, %add3A_155 : vector<16xi32>
      tpu.vector_store_idx %arg7[%add3A_156], %add3A_150 : memref<8704xi32, #tpu.memory_space<vmem>>[vector<16xi32>], vector<16xi32>,
      %get3A_157 = arith.constant 0 : i32
      %get3A_158 = arith.constant 2 : i32
      %get3A_159 = arith.index_cast %get3A_157 : i32 to index
      %get3A_160 = arith.index_cast %get3A_158 : i32 to index
      %get3A_161 = arith.index_cast %mul3A_55 : i32 to index
      %get3A_162 = tpu.vector_load %arg6[%get3A_159, %get3A_160, %get3A_161] {strides = array<i32>} : memref<3x16x512xf32, #tpu.memory_space<vmem>>, vector<16xf32>,
      %convert_element_type3A_163 = arith.fptosi %get3A_162 : vector<16xf32> to vector<16xi32>
      %get3A_164 = arith.constant 1 : i32
      %get3A_165 = arith.constant 2 : i32
      %get3A_166 = arith.index_cast %get3A_164 : i32 to index
      %get3A_167 = arith.index_cast %get3A_165 : i32 to index
      %get3A_168 = arith.index_cast %mul3A_55 : i32 to index
      %get3A_169 = tpu.vector_load %arg6[%get3A_166, %get3A_167, %get3A_168] {strides = array<i32>} : memref<3x16x512xf32, #tpu.memory_space<vmem>>, vector<16xf32>,
      %convert_element_type3A_170 = arith.fptosi %get3A_169 : vector<16xf32> to vector<16xi32>
      %get3A_171 = arith.constant 2 : i32
      %get3A_172 = arith.constant 2 : i32
      %get3A_173 = arith.index_cast %get3A_171 : i32 to index
      %get3A_174 = arith.index_cast %get3A_172 : i32 to index
      %get3A_175 = arith.index_cast %mul3A_55 : i32 to index
      %get3A_176 = tpu.vector_load %arg6[%get3A_173, %get3A_174, %get3A_175] {strides = array<i32>} : memref<3x16x512xf32, #tpu.memory_space<vmem>>, vector<16xf32>,
      %convert_element_type3A_177 = arith.fptosi %get3A_176 : vector<16xf32> to vector<16xi32>
      %get3A_178 = arith.constant 2 : i32
      %get3A_179 = arith.index_cast %get3A_178 : i32 to index
      %get3A_180 = arith.index_cast %mul3A_55 : i32 to index
      %get3A_181 = tpu.vector_load %arg5[%get3A_179, %get3A_180] {strides = array<i32>} : memref<16x512xi32, #tpu.memory_space<vmem>>, vector<16xi32>,
      %shift_left3A_182 = arith.constant 6 : i32
      %shift_left3A_183 = vector.broadcast %shift_left3A_182 : i32 to vector<16xi32>
      %shift_left3A_184 = arith.shli %get3A_181, %shift_left3A_183 : vector<16xi32>
      %add3A_185 = arith.constant 1 : i32
      %add3A_186 = vector.broadcast %add3A_185 : i32 to vector<16xi32>
      %add3A_187 = arith.addi %convert_element_type3A_163, %add3A_186 : vector<16xi32>
      %shift_left3A_188 = arith.constant 4 : i32
      %shift_left3A_189 = vector.broadcast %shift_left3A_188 : i32 to vector<16xi32>
      %shift_left3A_190 = arith.shli %add3A_187, %shift_left3A_189 : vector<16xi32>
      %add3A_191 = arith.addi %shift_left3A_184, %shift_left3A_190 : vector<16xi32>
      %add3A_192 = arith.constant 1 : i32
      %add3A_193 = vector.broadcast %add3A_192 : i32 to vector<16xi32>
      %add3A_194 = arith.addi %convert_element_type3A_170, %add3A_193 : vector<16xi32>
      %shift_left3A_195 = arith.constant 2 : i32
      %shift_left3A_196 = vector.broadcast %shift_left3A_195 : i32 to vector<16xi32>
      %shift_left3A_197 = arith.shli %add3A_194, %shift_left3A_196 : vector<16xi32>
      %add3A_198 = arith.addi %add3A_191, %shift_left3A_197 : vector<16xi32>
      %add3A_199 = arith.constant 1 : i32
      %add3A_200 = vector.broadcast %add3A_199 : i32 to vector<16xi32>
      %add3A_201 = arith.addi %convert_element_type3A_177, %add3A_200 : vector<16xi32>
      %add3A_202 = arith.addi %add3A_198, %add3A_201 : vector<16xi32>
      %mul3A_203 = arith.constant 17 : i32
      %mul3A_204 = arith.muli %mul3A_55, %mul3A_203 : i32
      %add3A_205 = arith.constant 2 : i32
      %add3A_206 = arith.addi %mul3A_204, %add3A_205 : i32
      %add3A_207 = vector.broadcast %add3A_206 : i32 to vector<16xi32>
      %add3A_208 = arith.addi %mul3A_25, %add3A_207 : vector<16xi32>
      tpu.vector_store_idx %arg7[%add3A_208], %add3A_202 : memref<8704xi32, #tpu.memory_space<vmem>>[vector<16xi32>], vector<16xi32>,
      %get3A_209 = arith.constant 0 : i32
      %get3A_210 = arith.constant 3 : i32
      %get3A_211 = arith.index_cast %get3A_209 : i32 to index
      %get3A_212 = arith.index_cast %get3A_210 : i32 to index
      %get3A_213 = arith.index_cast %mul3A_55 : i32 to index
      %get3A_214 = tpu.vector_load %arg6[%get3A_211, %get3A_212, %get3A_213] {strides = array<i32>} : memref<3x16x512xf32, #tpu.memory_space<vmem>>, vector<16xf32>,
      %convert_element_type3A_215 = arith.fptosi %get3A_214 : vector<16xf32> to vector<16xi32>
      %get3A_216 = arith.constant 1 : i32
      %get3A_217 = arith.constant 3 : i32
      %get3A_218 = arith.index_cast %get3A_216 : i32 to index
      %get3A_219 = arith.index_cast %get3A_217 : i32 to index
      %get3A_220 = arith.index_cast %mul3A_55 : i32 to index
      %get3A_221 = tpu.vector_load %arg6[%get3A_218, %get3A_219, %get3A_220] {strides = array<i32>} : memref<3x16x512xf32, #tpu.memory_space<vmem>>, vector<16xf32>,
      %convert_element_type3A_222 = arith.fptosi %get3A_221 : vector<16xf32> to vector<16xi32>
      %get3A_223 = arith.constant 2 : i32
      %get3A_224 = arith.constant 3 : i32
      %get3A_225 = arith.index_cast %get3A_223 : i32 to index
      %get3A_226 = arith.index_cast %get3A_224 : i32 to index
      %get3A_227 = arith.index_cast %mul3A_55 : i32 to index
      %get3A_228 = tpu.vector_load %arg6[%get3A_225, %get3A_226, %get3A_227] {strides = array<i32>} : memref<3x16x512xf32, #tpu.memory_space<vmem>>, vector<16xf32>,
      %convert_element_type3A_229 = arith.fptosi %get3A_228 : vector<16xf32> to vector<16xi32>
      %get3A_230 = arith.constant 3 : i32
      %get3A_231 = arith.index_cast %get3A_230 : i32 to index
      %get3A_232 = arith.index_cast %mul3A_55 : i32 to index
      %get3A_233 = tpu.vector_load %arg5[%get3A_231, %get3A_232] {strides = array<i32>} : memref<16x512xi32, #tpu.memory_space<vmem>>, vector<16xi32>,
      %shift_left3A_234 = arith.constant 6 : i32
      %shift_left3A_235 = vector.broadcast %shift_left3A_234 : i32 to vector<16xi32>
      %shift_left3A_236 = arith.shli %get3A_233, %shift_left3A_235 : vector<16xi32>
      %add3A_237 = arith.constant 1 : i32
      %add3A_238 = vector.broadcast %add3A_237 : i32 to vector<16xi32>
      %add3A_239 = arith.addi %convert_element_type3A_215, %add3A_238 : vector<16xi32>
      %shift_left3A_240 = arith.constant 4 : i32
      %shift_left3A_241 = vector.broadcast %shift_left3A_240 : i32 to vector<16xi32>
      %shift_left3A_242 = arith.shli %add3A_239, %shift_left3A_241 : vector<16xi32>
      %add3A_243 = arith.addi %shift_left3A_236, %shift_left3A_242 : vector<16xi32>
      %add3A_244 = arith.constant 1 : i32
      %add3A_245 = vector.broadcast %add3A_244 : i32 to vector<16xi32>
      %add3A_246 = arith.addi %convert_element_type3A_222, %add3A_245 : vector<16xi32>
      %shift_left3A_247 = arith.constant 2 : i32
      %shift_left3A_248 = vector.broadcast %shift_left3A_247 : i32 to vector<16xi32>
      %shift_left3A_249 = arith.shli %add3A_246, %shift_left3A_248 : vector<16xi32>
      %add3A_250 = arith.addi %add3A_243, %shift_left3A_249 : vector<16xi32>
      %add3A_251 = arith.constant 1 : i32
      %add3A_252 = vector.broadcast %add3A_251 : i32 to vector<16xi32>
      %add3A_253 = arith.addi %convert_element_type3A_229, %add3A_252 : vector<16xi32>
      %add3A_254 = arith.addi %add3A_250, %add3A_253 : vector<16xi32>
      %mul3A_255 = arith.constant 17 : i32
      %mul3A_256 = arith.muli %mul3A_55, %mul3A_255 : i32
      %add3A_257 = arith.constant 3 : i32
      %add3A_258 = arith.addi %mul3A_256, %add3A_257 : i32
      %add3A_259 = vector.broadcast %add3A_258 : i32 to vector<16xi32>
      %add3A_260 = arith.addi %mul3A_25, %add3A_259 : vector<16xi32>
      tpu.vector_store_idx %arg7[%add3A_260], %add3A_254 : memref<8704xi32, #tpu.memory_space<vmem>>[vector<16xi32>], vector<16xi32>,
      %get3A_261 = arith.constant 0 : i32
      %get3A_262 = arith.constant 4 : i32
      %get3A_263 = arith.index_cast %get3A_261 : i32 to index
      %get3A_264 = arith.index_cast %get3A_262 : i32 to index
      %get3A_265 = arith.index_cast %mul3A_55 : i32 to index
      %get3A_266 = tpu.vector_load %arg6[%get3A_263, %get3A_264, %get3A_265] {strides = array<i32>} : memref<3x16x512xf32, #tpu.memory_space<vmem>>, vector<16xf32>,
      %convert_element_type3A_267 = arith.fptosi %get3A_266 : vector<16xf32> to vector<16xi32>
      %get3A_268 = arith.constant 1 : i32
      %get3A_269 = arith.constant 4 : i32
      %get3A_270 = arith.index_cast %get3A_268 : i32 to index
      %get3A_271 = arith.index_cast %get3A_269 : i32 to index
      %get3A_272 = arith.index_cast %mul3A_55 : i32 to index
      %get3A_273 = tpu.vector_load %arg6[%get3A_270, %get3A_271, %get3A_272] {strides = array<i32>} : memref<3x16x512xf32, #tpu.memory_space<vmem>>, vector<16xf32>,
      %convert_element_type3A_274 = arith.fptosi %get3A_273 : vector<16xf32> to vector<16xi32>
      %get3A_275 = arith.constant 2 : i32
      %get3A_276 = arith.constant 4 : i32
      %get3A_277 = arith.index_cast %get3A_275 : i32 to index
      %get3A_278 = arith.index_cast %get3A_276 : i32 to index
      %get3A_279 = arith.index_cast %mul3A_55 : i32 to index
      %get3A_280 = tpu.vector_load %arg6[%get3A_277, %get3A_278, %get3A_279] {strides = array<i32>} : memref<3x16x512xf32, #tpu.memory_space<vmem>>, vector<16xf32>,
      %convert_element_type3A_281 = arith.fptosi %get3A_280 : vector<16xf32> to vector<16xi32>
      %get3A_282 = arith.constant 4 : i32
      %get3A_283 = arith.index_cast %get3A_282 : i32 to index
      %get3A_284 = arith.index_cast %mul3A_55 : i32 to index
      %get3A_285 = tpu.vector_load %arg5[%get3A_283, %get3A_284] {strides = array<i32>} : memref<16x512xi32, #tpu.memory_space<vmem>>, vector<16xi32>,
      %shift_left3A_286 = arith.constant 6 : i32
      %shift_left3A_287 = vector.broadcast %shift_left3A_286 : i32 to vector<16xi32>
      %shift_left3A_288 = arith.shli %get3A_285, %shift_left3A_287 : vector<16xi32>
      %add3A_289 = arith.constant 1 : i32
      %add3A_290 = vector.broadcast %add3A_289 : i32 to vector<16xi32>
      %add3A_291 = arith.addi %convert_element_type3A_267, %add3A_290 : vector<16xi32>
      %shift_left3A_292 = arith.constant 4 : i32
      %shift_left3A_293 = vector.broadcast %shift_left3A_292 : i32 to vector<16xi32>
      %shift_left3A_294 = arith.shli %add3A_291, %shift_left3A_293 : vector<16xi32>
      %add3A_295 = arith.addi %shift_left3A_288, %shift_left3A_294 : vector<16xi32>
      %add3A_296 = arith.constant 1 : i32
      %add3A_297 = vector.broadcast %add3A_296 : i32 to vector<16xi32>
      %add3A_298 = arith.addi %convert_element_type3A_274, %add3A_297 : vector<16xi32>
      %shift_left3A_299 = arith.constant 2 : i32
      %shift_left3A_300 = vector.broadcast %shift_left3A_299 : i32 to vector<16xi32>
      %shift_left3A_301 = arith.shli %add3A_298, %shift_left3A_300 : vector<16xi32>
      %add3A_302 = arith.addi %add3A_295, %shift_left3A_301 : vector<16xi32>
      %add3A_303 = arith.constant 1 : i32
      %add3A_304 = vector.broadcast %add3A_303 : i32 to vector<16xi32>
      %add3A_305 = arith.addi %convert_element_type3A_281, %add3A_304 : vector<16xi32>
      %add3A_306 = arith.addi %add3A_302, %add3A_305 : vector<16xi32>
      %mul3A_307 = arith.constant 17 : i32
      %mul3A_308 = arith.muli %mul3A_55, %mul3A_307 : i32
      %add3A_309 = arith.constant 4 : i32
      %add3A_310 = arith.addi %mul3A_308, %add3A_309 : i32
      %add3A_311 = vector.broadcast %add3A_310 : i32 to vector<16xi32>
      %add3A_312 = arith.addi %mul3A_25, %add3A_311 : vector<16xi32>
      tpu.vector_store_idx %arg7[%add3A_312], %add3A_306 : memref<8704xi32, #tpu.memory_space<vmem>>[vector<16xi32>], vector<16xi32>,
      %get3A_313 = arith.constant 0 : i32
      %get3A_314 = arith.constant 5 : i32
      %get3A_315 = arith.index_cast %get3A_313 : i32 to index
      %get3A_316 = arith.index_cast %get3A_314 : i32 to index
      %get3A_317 = arith.index_cast %mul3A_55 : i32 to index
      %get3A_318 = tpu.vector_load %arg6[%get3A_315, %get3A_316, %get3A_317] {strides = array<i32>} : memref<3x16x512xf32, #tpu.memory_space<vmem>>, vector<16xf32>,
      %convert_element_type3A_319 = arith.fptosi %get3A_318 : vector<16xf32> to vector<16xi32>
      %get3A_320 = arith.constant 1 : i32
      %get3A_321 = arith.constant 5 : i32
      %get3A_322 = arith.index_cast %get3A_320 : i32 to index
      %get3A_323 = arith.index_cast %get3A_321 : i32 to index
      %get3A_324 = arith.index_cast %mul3A_55 : i32 to index
      %get3A_325 = tpu.vector_load %arg6[%get3A_322, %get3A_323, %get3A_324] {strides = array<i32>} : memref<3x16x512xf32, #tpu.memory_space<vmem>>, vector<16xf32>,
      %convert_element_type3A_326 = arith.fptosi %get3A_325 : vector<16xf32> to vector<16xi32>
      %get3A_327 = arith.constant 2 : i32
      %get3A_328 = arith.constant 5 : i32
      %get3A_329 = arith.index_cast %get3A_327 : i32 to index
      %get3A_330 = arith.index_cast %get3A_328 : i32 to index
      %get3A_331 = arith.index_cast %mul3A_55 : i32 to index
      %get3A_332 = tpu.vector_load %arg6[%get3A_329, %get3A_330, %get3A_331] {strides = array<i32>} : memref<3x16x512xf32, #tpu.memory_space<vmem>>, vector<16xf32>,
      %convert_element_type3A_333 = arith.fptosi %get3A_332 : vector<16xf32> to vector<16xi32>
      %get3A_334 = arith.constant 5 : i32
      %get3A_335 = arith.index_cast %get3A_334 : i32 to index
      %get3A_336 = arith.index_cast %mul3A_55 : i32 to index
      %get3A_337 = tpu.vector_load %arg5[%get3A_335, %get3A_336] {strides = array<i32>} : memref<16x512xi32, #tpu.memory_space<vmem>>, vector<16xi32>,
      %shift_left3A_338 = arith.constant 6 : i32
      %shift_left3A_339 = vector.broadcast %shift_left3A_338 : i32 to vector<16xi32>
      %shift_left3A_340 = arith.shli %get3A_337, %shift_left3A_339 : vector<16xi32>
      %add3A_341 = arith.constant 1 : i32
      %add3A_342 = vector.broadcast %add3A_341 : i32 to vector<16xi32>
      %add3A_343 = arith.addi %convert_element_type3A_319, %add3A_342 : vector<16xi32>
      %shift_left3A_344 = arith.constant 4 : i32
      %shift_left3A_345 = vector.broadcast %shift_left3A_344 : i32 to vector<16xi32>
      %shift_left3A_346 = arith.shli %add3A_343, %shift_left3A_345 : vector<16xi32>
      %add3A_347 = arith.addi %shift_left3A_340, %shift_left3A_346 : vector<16xi32>
      %add3A_348 = arith.constant 1 : i32
      %add3A_349 = vector.broadcast %add3A_348 : i32 to vector<16xi32>
      %add3A_350 = arith.addi %convert_element_type3A_326, %add3A_349 : vector<16xi32>
      %shift_left3A_351 = arith.constant 2 : i32
      %shift_left3A_352 = vector.broadcast %shift_left3A_351 : i32 to vector<16xi32>
      %shift_left3A_353 = arith.shli %add3A_350, %shift_left3A_352 : vector<16xi32>
      %add3A_354 = arith.addi %add3A_347, %shift_left3A_353 : vector<16xi32>
      %add3A_355 = arith.constant 1 : i32
      %add3A_356 = vector.broadcast %add3A_355 : i32 to vector<16xi32>
      %add3A_357 = arith.addi %convert_element_type3A_333, %add3A_356 : vector<16xi32>
      %add3A_358 = arith.addi %add3A_354, %add3A_357 : vector<16xi32>
      %mul3A_359 = arith.constant 17 : i32
      %mul3A_360 = arith.muli %mul3A_55, %mul3A_359 : i32
      %add3A_361 = arith.constant 5 : i32
      %add3A_362 = arith.addi %mul3A_360, %add3A_361 : i32
      %add3A_363 = vector.broadcast %add3A_362 : i32 to vector<16xi32>
      %add3A_364 = arith.addi %mul3A_25, %add3A_363 : vector<16xi32>
      tpu.vector_store_idx %arg7[%add3A_364], %add3A_358 : memref<8704xi32, #tpu.memory_space<vmem>>[vector<16xi32>], vector<16xi32>,
      %get3A_365 = arith.constant 0 : i32
      %get3A_366 = arith.constant 6 : i32
      %get3A_367 = arith.index_cast %get3A_365 : i32 to index
      %get3A_368 = arith.index_cast %get3A_366 : i32 to index
      %get3A_369 = arith.index_cast %mul3A_55 : i32 to index
      %get3A_370 = tpu.vector_load %arg6[%get3A_367, %get3A_368, %get3A_369] {strides = array<i32>} : memref<3x16x512xf32, #tpu.memory_space<vmem>>, vector<16xf32>,
      %convert_element_type3A_371 = arith.fptosi %get3A_370 : vector<16xf32> to vector<16xi32>
      %get3A_372 = arith.constant 1 : i32
      %get3A_373 = arith.constant 6 : i32
      %get3A_374 = arith.index_cast %get3A_372 : i32 to index
      %get3A_375 = arith.index_cast %get3A_373 : i32 to index
      %get3A_376 = arith.index_cast %mul3A_55 : i32 to index
      %get3A_377 = tpu.vector_load %arg6[%get3A_374, %get3A_375, %get3A_376] {strides = array<i32>} : memref<3x16x512xf32, #tpu.memory_space<vmem>>, vector<16xf32>,
      %convert_element_type3A_378 = arith.fptosi %get3A_377 : vector<16xf32> to vector<16xi32>
      %get3A_379 = arith.constant 2 : i32
      %get3A_380 = arith.constant 6 : i32
      %get3A_381 = arith.index_cast %get3A_379 : i32 to index
      %get3A_382 = arith.index_cast %get3A_380 : i32 to index
      %get3A_383 = arith.index_cast %mul3A_55 : i32 to index
      %get3A_384 = tpu.vector_load %arg6[%get3A_381, %get3A_382, %get3A_383] {strides = array<i32>} : memref<3x16x512xf32, #tpu.memory_space<vmem>>, vector<16xf32>,
      %convert_element_type3A_385 = arith.fptosi %get3A_384 : vector<16xf32> to vector<16xi32>
      %get3A_386 = arith.constant 6 : i32
      %get3A_387 = arith.index_cast %get3A_386 : i32 to index
      %get3A_388 = arith.index_cast %mul3A_55 : i32 to index
      %get3A_389 = tpu.vector_load %arg5[%get3A_387, %get3A_388] {strides = array<i32>} : memref<16x512xi32, #tpu.memory_space<vmem>>, vector<16xi32>,
      %shift_left3A_390 = arith.constant 6 : i32
      %shift_left3A_391 = vector.broadcast %shift_left3A_390 : i32 to vector<16xi32>
      %shift_left3A_392 = arith.shli %get3A_389, %shift_left3A_391 : vector<16xi32>
      %add3A_393 = arith.constant 1 : i32
      %add3A_394 = vector.broadcast %add3A_393 : i32 to vector<16xi32>
      %add3A_395 = arith.addi %convert_element_type3A_371, %add3A_394 : vector<16xi32>
      %shift_left3A_396 = arith.constant 4 : i32
      %shift_left3A_397 = vector.broadcast %shift_left3A_396 : i32 to vector<16xi32>
      %shift_left3A_398 = arith.shli %add3A_395, %shift_left3A_397 : vector<16xi32>
      %add3A_399 = arith.addi %shift_left3A_392, %shift_left3A_398 : vector<16xi32>
      %add3A_400 = arith.constant 1 : i32
      %add3A_401 = vector.broadcast %add3A_400 : i32 to vector<16xi32>
      %add3A_402 = arith.addi %convert_element_type3A_378, %add3A_401 : vector<16xi32>
      %shift_left3A_403 = arith.constant 2 : i32
      %shift_left3A_404 = vector.broadcast %shift_left3A_403 : i32 to vector<16xi32>
      %shift_left3A_405 = arith.shli %add3A_402, %shift_left3A_404 : vector<16xi32>
      %add3A_406 = arith.addi %add3A_399, %shift_left3A_405 : vector<16xi32>
      %add3A_407 = arith.constant 1 : i32
      %add3A_408 = vector.broadcast %add3A_407 : i32 to vector<16xi32>
      %add3A_409 = arith.addi %convert_element_type3A_385, %add3A_408 : vector<16xi32>
      %add3A_410 = arith.addi %add3A_406, %add3A_409 : vector<16xi32>
      %mul3A_411 = arith.constant 17 : i32
      %mul3A_412 = arith.muli %mul3A_55, %mul3A_411 : i32
      %add3A_413 = arith.constant 6 : i32
      %add3A_414 = arith.addi %mul3A_412, %add3A_413 : i32
      %add3A_415 = vector.broadcast %add3A_414 : i32 to vector<16xi32>
      %add3A_416 = arith.addi %mul3A_25, %add3A_415 : vector<16xi32>
      tpu.vector_store_idx %arg7[%add3A_416], %add3A_410 : memref<8704xi32, #tpu.memory_space<vmem>>[vector<16xi32>], vector<16xi32>,
      %get3A_417 = arith.constant 0 : i32
      %get3A_418 = arith.constant 7 : i32
      %get3A_419 = arith.index_cast %get3A_417 : i32 to index
      %get3A_420 = arith.index_cast %get3A_418 : i32 to index
      %get3A_421 = arith.index_cast %mul3A_55 : i32 to index
      %get3A_422 = tpu.vector_load %arg6[%get3A_419, %get3A_420, %get3A_421] {strides = array<i32>} : memref<3x16x512xf32, #tpu.memory_space<vmem>>, vector<16xf32>,
      %convert_element_type3A_423 = arith.fptosi %get3A_422 : vector<16xf32> to vector<16xi32>
      %get3A_424 = arith.constant 1 : i32
      %get3A_425 = arith.constant 7 : i32
      %get3A_426 = arith.index_cast %get3A_424 : i32 to index
      %get3A_427 = arith.index_cast %get3A_425 : i32 to index
      %get3A_428 = arith.index_cast %mul3A_55 : i32 to index
      %get3A_429 = tpu.vector_load %arg6[%get3A_426, %get3A_427, %get3A_428] {strides = array<i32>} : memref<3x16x512xf32, #tpu.memory_space<vmem>>, vector<16xf32>,
      %convert_element_type3A_430 = arith.fptosi %get3A_429 : vector<16xf32> to vector<16xi32>
      %get3A_431 = arith.constant 2 : i32
      %get3A_432 = arith.constant 7 : i32
      %get3A_433 = arith.index_cast %get3A_431 : i32 to index
      %get3A_434 = arith.index_cast %get3A_432 : i32 to index
      %get3A_435 = arith.index_cast %mul3A_55 : i32 to index
      %get3A_436 = tpu.vector_load %arg6[%get3A_433, %get3A_434, %get3A_435] {strides = array<i32>} : memref<3x16x512xf32, #tpu.memory_space<vmem>>, vector<16xf32>,
      %convert_element_type3A_437 = arith.fptosi %get3A_436 : vector<16xf32> to vector<16xi32>
      %get3A_438 = arith.constant 7 : i32
      %get3A_439 = arith.index_cast %get3A_438 : i32 to index
      %get3A_440 = arith.index_cast %mul3A_55 : i32 to index
      %get3A_441 = tpu.vector_load %arg5[%get3A_439, %get3A_440] {strides = array<i32>} : memref<16x512xi32, #tpu.memory_space<vmem>>, vector<16xi32>,
      %shift_left3A_442 = arith.constant 6 : i32
      %shift_left3A_443 = vector.broadcast %shift_left3A_442 : i32 to vector<16xi32>
      %shift_left3A_444 = arith.shli %get3A_441, %shift_left3A_443 : vector<16xi32>
      %add3A_445 = arith.constant 1 : i32
      %add3A_446 = vector.broadcast %add3A_445 : i32 to vector<16xi32>
      %add3A_447 = arith.addi %convert_element_type3A_423, %add3A_446 : vector<16xi32>
      %shift_left3A_448 = arith.constant 4 : i32
      %shift_left3A_449 = vector.broadcast %shift_left3A_448 : i32 to vector<16xi32>
      %shift_left3A_450 = arith.shli %add3A_447, %shift_left3A_449 : vector<16xi32>
      %add3A_451 = arith.addi %shift_left3A_444, %shift_left3A_450 : vector<16xi32>
      %add3A_452 = arith.constant 1 : i32
      %add3A_453 = vector.broadcast %add3A_452 : i32 to vector<16xi32>
      %add3A_454 = arith.addi %convert_element_type3A_430, %add3A_453 : vector<16xi32>
      %shift_left3A_455 = arith.constant 2 : i32
      %shift_left3A_456 = vector.broadcast %shift_left3A_455 : i32 to vector<16xi32>
      %shift_left3A_457 = arith.shli %add3A_454, %shift_left3A_456 : vector<16xi32>
      %add3A_458 = arith.addi %add3A_451, %shift_left3A_457 : vector<16xi32>
      %add3A_459 = arith.constant 1 : i32
      %add3A_460 = vector.broadcast %add3A_459 : i32 to vector<16xi32>
      %add3A_461 = arith.addi %convert_element_type3A_437, %add3A_460 : vector<16xi32>
      %add3A_462 = arith.addi %add3A_458, %add3A_461 : vector<16xi32>
      %mul3A_463 = arith.constant 17 : i32
      %mul3A_464 = arith.muli %mul3A_55, %mul3A_463 : i32
      %add3A_465 = arith.constant 7 : i32
      %add3A_466 = arith.addi %mul3A_464, %add3A_465 : i32
      %add3A_467 = vector.broadcast %add3A_466 : i32 to vector<16xi32>
      %add3A_468 = arith.addi %mul3A_25, %add3A_467 : vector<16xi32>
      tpu.vector_store_idx %arg7[%add3A_468], %add3A_462 : memref<8704xi32, #tpu.memory_space<vmem>>[vector<16xi32>], vector<16xi32>,
      %get3A_469 = arith.constant 0 : i32
      %get3A_470 = arith.constant 8 : i32
      %get3A_471 = arith.index_cast %get3A_469 : i32 to index
      %get3A_472 = arith.index_cast %get3A_470 : i32 to index
      %get3A_473 = arith.index_cast %mul3A_55 : i32 to index
      %get3A_474 = tpu.vector_load %arg6[%get3A_471, %get3A_472, %get3A_473] {strides = array<i32>} : memref<3x16x512xf32, #tpu.memory_space<vmem>>, vector<16xf32>,
      %convert_element_type3A_475 = arith.fptosi %get3A_474 : vector<16xf32> to vector<16xi32>
      %get3A_476 = arith.constant 1 : i32
      %get3A_477 = arith.constant 8 : i32
      %get3A_478 = arith.index_cast %get3A_476 : i32 to index
      %get3A_479 = arith.index_cast %get3A_477 : i32 to index
      %get3A_480 = arith.index_cast %mul3A_55 : i32 to index
      %get3A_481 = tpu.vector_load %arg6[%get3A_478, %get3A_479, %get3A_480] {strides = array<i32>} : memref<3x16x512xf32, #tpu.memory_space<vmem>>, vector<16xf32>,
      %convert_element_type3A_482 = arith.fptosi %get3A_481 : vector<16xf32> to vector<16xi32>
      %get3A_483 = arith.constant 2 : i32
      %get3A_484 = arith.constant 8 : i32
      %get3A_485 = arith.index_cast %get3A_483 : i32 to index
      %get3A_486 = arith.index_cast %get3A_484 : i32 to index
      %get3A_487 = arith.index_cast %mul3A_55 : i32 to index
      %get3A_488 = tpu.vector_load %arg6[%get3A_485, %get3A_486, %get3A_487] {strides = array<i32>} : memref<3x16x512xf32, #tpu.memory_space<vmem>>, vector<16xf32>,
      %convert_element_type3A_489 = arith.fptosi %get3A_488 : vector<16xf32> to vector<16xi32>
      %get3A_490 = arith.constant 8 : i32
      %get3A_491 = arith.index_cast %get3A_490 : i32 to index
      %get3A_492 = arith.index_cast %mul3A_55 : i32 to index
      %get3A_493 = tpu.vector_load %arg5[%get3A_491, %get3A_492] {strides = array<i32>} : memref<16x512xi32, #tpu.memory_space<vmem>>, vector<16xi32>,
      %shift_left3A_494 = arith.constant 6 : i32
      %shift_left3A_495 = vector.broadcast %shift_left3A_494 : i32 to vector<16xi32>
      %shift_left3A_496 = arith.shli %get3A_493, %shift_left3A_495 : vector<16xi32>
      %add3A_497 = arith.constant 1 : i32
      %add3A_498 = vector.broadcast %add3A_497 : i32 to vector<16xi32>
      %add3A_499 = arith.addi %convert_element_type3A_475, %add3A_498 : vector<16xi32>
      %shift_left3A_500 = arith.constant 4 : i32
      %shift_left3A_501 = vector.broadcast %shift_left3A_500 : i32 to vector<16xi32>
      %shift_left3A_502 = arith.shli %add3A_499, %shift_left3A_501 : vector<16xi32>
      %add3A_503 = arith.addi %shift_left3A_496, %shift_left3A_502 : vector<16xi32>
      %add3A_504 = arith.constant 1 : i32
      %add3A_505 = vector.broadcast %add3A_504 : i32 to vector<16xi32>
      %add3A_506 = arith.addi %convert_element_type3A_482, %add3A_505 : vector<16xi32>
      %shift_left3A_507 = arith.constant 2 : i32
      %shift_left3A_508 = vector.broadcast %shift_left3A_507 : i32 to vector<16xi32>
      %shift_left3A_509 = arith.shli %add3A_506, %shift_left3A_508 : vector<16xi32>
      %add3A_510 = arith.addi %add3A_503, %shift_left3A_509 : vector<16xi32>
      %add3A_511 = arith.constant 1 : i32
      %add3A_512 = vector.broadcast %add3A_511 : i32 to vector<16xi32>
      %add3A_513 = arith.addi %convert_element_type3A_489, %add3A_512 : vector<16xi32>
      %add3A_514 = arith.addi %add3A_510, %add3A_513 : vector<16xi32>
      %mul3A_515 = arith.constant 17 : i32
      %mul3A_516 = arith.muli %mul3A_55, %mul3A_515 : i32
      %add3A_517 = arith.constant 8 : i32
      %add3A_518 = arith.addi %mul3A_516, %add3A_517 : i32
      %add3A_519 = vector.broadcast %add3A_518 : i32 to vector<16xi32>
      %add3A_520 = arith.addi %mul3A_25, %add3A_519 : vector<16xi32>
      tpu.vector_store_idx %arg7[%add3A_520], %add3A_514 : memref<8704xi32, #tpu.memory_space<vmem>>[vector<16xi32>], vector<16xi32>,
      %get3A_521 = arith.constant 0 : i32
      %get3A_522 = arith.constant 9 : i32
      %get3A_523 = arith.index_cast %get3A_521 : i32 to index
      %get3A_524 = arith.index_cast %get3A_522 : i32 to index
      %get3A_525 = arith.index_cast %mul3A_55 : i32 to index
      %get3A_526 = tpu.vector_load %arg6[%get3A_523, %get3A_524, %get3A_525] {strides = array<i32>} : memref<3x16x512xf32, #tpu.memory_space<vmem>>, vector<16xf32>,
      %convert_element_type3A_527 = arith.fptosi %get3A_526 : vector<16xf32> to vector<16xi32>
      %get3A_528 = arith.constant 1 : i32
      %get3A_529 = arith.constant 9 : i32
      %get3A_530 = arith.index_cast %get3A_528 : i32 to index
      %get3A_531 = arith.index_cast %get3A_529 : i32 to index
      %get3A_532 = arith.index_cast %mul3A_55 : i32 to index
      %get3A_533 = tpu.vector_load %arg6[%get3A_530, %get3A_531, %get3A_532] {strides = array<i32>} : memref<3x16x512xf32, #tpu.memory_space<vmem>>, vector<16xf32>,
      %convert_element_type3A_534 = arith.fptosi %get3A_533 : vector<16xf32> to vector<16xi32>
      %get3A_535 = arith.constant 2 : i32
      %get3A_536 = arith.constant 9 : i32
      %get3A_537 = arith.index_cast %get3A_535 : i32 to index
      %get3A_538 = arith.index_cast %get3A_536 : i32 to index
      %get3A_539 = arith.index_cast %mul3A_55 : i32 to index
      %get3A_540 = tpu.vector_load %arg6[%get3A_537, %get3A_538, %get3A_539] {strides = array<i32>} : memref<3x16x512xf32, #tpu.memory_space<vmem>>, vector<16xf32>,
      %convert_element_type3A_541 = arith.fptosi %get3A_540 : vector<16xf32> to vector<16xi32>
      %get3A_542 = arith.constant 9 : i32
      %get3A_543 = arith.index_cast %get3A_542 : i32 to index
      %get3A_544 = arith.index_cast %mul3A_55 : i32 to index
      %get3A_545 = tpu.vector_load %arg5[%get3A_543, %get3A_544] {strides = array<i32>} : memref<16x512xi32, #tpu.memory_space<vmem>>, vector<16xi32>,
      %shift_left3A_546 = arith.constant 6 : i32
      %shift_left3A_547 = vector.broadcast %shift_left3A_546 : i32 to vector<16xi32>
      %shift_left3A_548 = arith.shli %get3A_545, %shift_left3A_547 : vector<16xi32>
      %add3A_549 = arith.constant 1 : i32
      %add3A_550 = vector.broadcast %add3A_549 : i32 to vector<16xi32>
      %add3A_551 = arith.addi %convert_element_type3A_527, %add3A_550 : vector<16xi32>
      %shift_left3A_552 = arith.constant 4 : i32
      %shift_left3A_553 = vector.broadcast %shift_left3A_552 : i32 to vector<16xi32>
      %shift_left3A_554 = arith.shli %add3A_551, %shift_left3A_553 : vector<16xi32>
      %add3A_555 = arith.addi %shift_left3A_548, %shift_left3A_554 : vector<16xi32>
      %add3A_556 = arith.constant 1 : i32
      %add3A_557 = vector.broadcast %add3A_556 : i32 to vector<16xi32>
      %add3A_558 = arith.addi %convert_element_type3A_534, %add3A_557 : vector<16xi32>
      %shift_left3A_559 = arith.constant 2 : i32
      %shift_left3A_560 = vector.broadcast %shift_left3A_559 : i32 to vector<16xi32>
      %shift_left3A_561 = arith.shli %add3A_558, %shift_left3A_560 : vector<16xi32>
      %add3A_562 = arith.addi %add3A_555, %shift_left3A_561 : vector<16xi32>
      %add3A_563 = arith.constant 1 : i32
      %add3A_564 = vector.broadcast %add3A_563 : i32 to vector<16xi32>
      %add3A_565 = arith.addi %convert_element_type3A_541, %add3A_564 : vector<16xi32>
      %add3A_566 = arith.addi %add3A_562, %add3A_565 : vector<16xi32>
      %mul3A_567 = arith.constant 17 : i32
      %mul3A_568 = arith.muli %mul3A_55, %mul3A_567 : i32
      %add3A_569 = arith.constant 9 : i32
      %add3A_570 = arith.addi %mul3A_568, %add3A_569 : i32
      %add3A_571 = vector.broadcast %add3A_570 : i32 to vector<16xi32>
      %add3A_572 = arith.addi %mul3A_25, %add3A_571 : vector<16xi32>
      tpu.vector_store_idx %arg7[%add3A_572], %add3A_566 : memref<8704xi32, #tpu.memory_space<vmem>>[vector<16xi32>], vector<16xi32>,
      %get3A_573 = arith.constant 0 : i32
      %get3A_574 = arith.constant 10 : i32
      %get3A_575 = arith.index_cast %get3A_573 : i32 to index
      %get3A_576 = arith.index_cast %get3A_574 : i32 to index
      %get3A_577 = arith.index_cast %mul3A_55 : i32 to index
      %get3A_578 = tpu.vector_load %arg6[%get3A_575, %get3A_576, %get3A_577] {strides = array<i32>} : memref<3x16x512xf32, #tpu.memory_space<vmem>>, vector<16xf32>,
      %convert_element_type3A_579 = arith.fptosi %get3A_578 : vector<16xf32> to vector<16xi32>
      %get3A_580 = arith.constant 1 : i32
      %get3A_581 = arith.constant 10 : i32
      %get3A_582 = arith.index_cast %get3A_580 : i32 to index
      %get3A_583 = arith.index_cast %get3A_581 : i32 to index
      %get3A_584 = arith.index_cast %mul3A_55 : i32 to index
      %get3A_585 = tpu.vector_load %arg6[%get3A_582, %get3A_583, %get3A_584] {strides = array<i32>} : memref<3x16x512xf32, #tpu.memory_space<vmem>>, vector<16xf32>,
      %convert_element_type3A_586 = arith.fptosi %get3A_585 : vector<16xf32> to vector<16xi32>
      %get3A_587 = arith.constant 2 : i32
      %get3A_588 = arith.constant 10 : i32
      %get3A_589 = arith.index_cast %get3A_587 : i32 to index
      %get3A_590 = arith.index_cast %get3A_588 : i32 to index
      %get3A_591 = arith.index_cast %mul3A_55 : i32 to index
      %get3A_592 = tpu.vector_load %arg6[%get3A_589, %get3A_590, %get3A_591] {strides = array<i32>} : memref<3x16x512xf32, #tpu.memory_space<vmem>>, vector<16xf32>,
      %convert_element_type3A_593 = arith.fptosi %get3A_592 : vector<16xf32> to vector<16xi32>
      %get3A_594 = arith.constant 10 : i32
      %get3A_595 = arith.index_cast %get3A_594 : i32 to index
      %get3A_596 = arith.index_cast %mul3A_55 : i32 to index
      %get3A_597 = tpu.vector_load %arg5[%get3A_595, %get3A_596] {strides = array<i32>} : memref<16x512xi32, #tpu.memory_space<vmem>>, vector<16xi32>,
      %shift_left3A_598 = arith.constant 6 : i32
      %shift_left3A_599 = vector.broadcast %shift_left3A_598 : i32 to vector<16xi32>
      %shift_left3A_600 = arith.shli %get3A_597, %shift_left3A_599 : vector<16xi32>
      %add3A_601 = arith.constant 1 : i32
      %add3A_602 = vector.broadcast %add3A_601 : i32 to vector<16xi32>
      %add3A_603 = arith.addi %convert_element_type3A_579, %add3A_602 : vector<16xi32>
      %shift_left3A_604 = arith.constant 4 : i32
      %shift_left3A_605 = vector.broadcast %shift_left3A_604 : i32 to vector<16xi32>
      %shift_left3A_606 = arith.shli %add3A_603, %shift_left3A_605 : vector<16xi32>
      %add3A_607 = arith.addi %shift_left3A_600, %shift_left3A_606 : vector<16xi32>
      %add3A_608 = arith.constant 1 : i32
      %add3A_609 = vector.broadcast %add3A_608 : i32 to vector<16xi32>
      %add3A_610 = arith.addi %convert_element_type3A_586, %add3A_609 : vector<16xi32>
      %shift_left3A_611 = arith.constant 2 : i32
      %shift_left3A_612 = vector.broadcast %shift_left3A_611 : i32 to vector<16xi32>
      %shift_left3A_613 = arith.shli %add3A_610, %shift_left3A_612 : vector<16xi32>
      %add3A_614 = arith.addi %add3A_607, %shift_left3A_613 : vector<16xi32>
      %add3A_615 = arith.constant 1 : i32
      %add3A_616 = vector.broadcast %add3A_615 : i32 to vector<16xi32>
      %add3A_617 = arith.addi %convert_element_type3A_593, %add3A_616 : vector<16xi32>
      %add3A_618 = arith.addi %add3A_614, %add3A_617 : vector<16xi32>
      %mul3A_619 = arith.constant 17 : i32
      %mul3A_620 = arith.muli %mul3A_55, %mul3A_619 : i32
      %add3A_621 = arith.constant 10 : i32
      %add3A_622 = arith.addi %mul3A_620, %add3A_621 : i32
      %add3A_623 = vector.broadcast %add3A_622 : i32 to vector<16xi32>
      %add3A_624 = arith.addi %mul3A_25, %add3A_623 : vector<16xi32>
      tpu.vector_store_idx %arg7[%add3A_624], %add3A_618 : memref<8704xi32, #tpu.memory_space<vmem>>[vector<16xi32>], vector<16xi32>,
      %get3A_625 = arith.constant 0 : i32
      %get3A_626 = arith.constant 11 : i32
      %get3A_627 = arith.index_cast %get3A_625 : i32 to index
      %get3A_628 = arith.index_cast %get3A_626 : i32 to index
      %get3A_629 = arith.index_cast %mul3A_55 : i32 to index
      %get3A_630 = tpu.vector_load %arg6[%get3A_627, %get3A_628, %get3A_629] {strides = array<i32>} : memref<3x16x512xf32, #tpu.memory_space<vmem>>, vector<16xf32>,
      %convert_element_type3A_631 = arith.fptosi %get3A_630 : vector<16xf32> to vector<16xi32>
      %get3A_632 = arith.constant 1 : i32
      %get3A_633 = arith.constant 11 : i32
      %get3A_634 = arith.index_cast %get3A_632 : i32 to index
      %get3A_635 = arith.index_cast %get3A_633 : i32 to index
      %get3A_636 = arith.index_cast %mul3A_55 : i32 to index
      %get3A_637 = tpu.vector_load %arg6[%get3A_634, %get3A_635, %get3A_636] {strides = array<i32>} : memref<3x16x512xf32, #tpu.memory_space<vmem>>, vector<16xf32>,
      %convert_element_type3A_638 = arith.fptosi %get3A_637 : vector<16xf32> to vector<16xi32>
      %get3A_639 = arith.constant 2 : i32
      %get3A_640 = arith.constant 11 : i32
      %get3A_641 = arith.index_cast %get3A_639 : i32 to index
      %get3A_642 = arith.index_cast %get3A_640 : i32 to index
      %get3A_643 = arith.index_cast %mul3A_55 : i32 to index
      %get3A_644 = tpu.vector_load %arg6[%get3A_641, %get3A_642, %get3A_643] {strides = array<i32>} : memref<3x16x512xf32, #tpu.memory_space<vmem>>, vector<16xf32>,
      %convert_element_type3A_645 = arith.fptosi %get3A_644 : vector<16xf32> to vector<16xi32>
      %get3A_646 = arith.constant 11 : i32
      %get3A_647 = arith.index_cast %get3A_646 : i32 to index
      %get3A_648 = arith.index_cast %mul3A_55 : i32 to index
      %get3A_649 = tpu.vector_load %arg5[%get3A_647, %get3A_648] {strides = array<i32>} : memref<16x512xi32, #tpu.memory_space<vmem>>, vector<16xi32>,
      %shift_left3A_650 = arith.constant 6 : i32
      %shift_left3A_651 = vector.broadcast %shift_left3A_650 : i32 to vector<16xi32>
      %shift_left3A_652 = arith.shli %get3A_649, %shift_left3A_651 : vector<16xi32>
      %add3A_653 = arith.constant 1 : i32
      %add3A_654 = vector.broadcast %add3A_653 : i32 to vector<16xi32>
      %add3A_655 = arith.addi %convert_element_type3A_631, %add3A_654 : vector<16xi32>
      %shift_left3A_656 = arith.constant 4 : i32
      %shift_left3A_657 = vector.broadcast %shift_left3A_656 : i32 to vector<16xi32>
      %shift_left3A_658 = arith.shli %add3A_655, %shift_left3A_657 : vector<16xi32>
      %add3A_659 = arith.addi %shift_left3A_652, %shift_left3A_658 : vector<16xi32>
      %add3A_660 = arith.constant 1 : i32
      %add3A_661 = vector.broadcast %add3A_660 : i32 to vector<16xi32>
      %add3A_662 = arith.addi %convert_element_type3A_638, %add3A_661 : vector<16xi32>
      %shift_left3A_663 = arith.constant 2 : i32
      %shift_left3A_664 = vector.broadcast %shift_left3A_663 : i32 to vector<16xi32>
      %shift_left3A_665 = arith.shli %add3A_662, %shift_left3A_664 : vector<16xi32>
      %add3A_666 = arith.addi %add3A_659, %shift_left3A_665 : vector<16xi32>
      %add3A_667 = arith.constant 1 : i32
      %add3A_668 = vector.broadcast %add3A_667 : i32 to vector<16xi32>
      %add3A_669 = arith.addi %convert_element_type3A_645, %add3A_668 : vector<16xi32>
      %add3A_670 = arith.addi %add3A_666, %add3A_669 : vector<16xi32>
      %mul3A_671 = arith.constant 17 : i32
      %mul3A_672 = arith.muli %mul3A_55, %mul3A_671 : i32
      %add3A_673 = arith.constant 11 : i32
      %add3A_674 = arith.addi %mul3A_672, %add3A_673 : i32
      %add3A_675 = vector.broadcast %add3A_674 : i32 to vector<16xi32>
      %add3A_676 = arith.addi %mul3A_25, %add3A_675 : vector<16xi32>
      tpu.vector_store_idx %arg7[%add3A_676], %add3A_670 : memref<8704xi32, #tpu.memory_space<vmem>>[vector<16xi32>], vector<16xi32>,
      %get3A_677 = arith.constant 0 : i32
      %get3A_678 = arith.constant 12 : i32
      %get3A_679 = arith.index_cast %get3A_677 : i32 to index
      %get3A_680 = arith.index_cast %get3A_678 : i32 to index
      %get3A_681 = arith.index_cast %mul3A_55 : i32 to index
      %get3A_682 = tpu.vector_load %arg6[%get3A_679, %get3A_680, %get3A_681] {strides = array<i32>} : memref<3x16x512xf32, #tpu.memory_space<vmem>>, vector<16xf32>,
      %convert_element_type3A_683 = arith.fptosi %get3A_682 : vector<16xf32> to vector<16xi32>
      %get3A_684 = arith.constant 1 : i32
      %get3A_685 = arith.constant 12 : i32
      %get3A_686 = arith.index_cast %get3A_684 : i32 to index
      %get3A_687 = arith.index_cast %get3A_685 : i32 to index
      %get3A_688 = arith.index_cast %mul3A_55 : i32 to index
      %get3A_689 = tpu.vector_load %arg6[%get3A_686, %get3A_687, %get3A_688] {strides = array<i32>} : memref<3x16x512xf32, #tpu.memory_space<vmem>>, vector<16xf32>,
      %convert_element_type3A_690 = arith.fptosi %get3A_689 : vector<16xf32> to vector<16xi32>
      %get3A_691 = arith.constant 2 : i32
      %get3A_692 = arith.constant 12 : i32
      %get3A_693 = arith.index_cast %get3A_691 : i32 to index
      %get3A_694 = arith.index_cast %get3A_692 : i32 to index
      %get3A_695 = arith.index_cast %mul3A_55 : i32 to index
      %get3A_696 = tpu.vector_load %arg6[%get3A_693, %get3A_694, %get3A_695] {strides = array<i32>} : memref<3x16x512xf32, #tpu.memory_space<vmem>>, vector<16xf32>,
      %convert_element_type3A_697 = arith.fptosi %get3A_696 : vector<16xf32> to vector<16xi32>
      %get3A_698 = arith.constant 12 : i32
      %get3A_699 = arith.index_cast %get3A_698 : i32 to index
      %get3A_700 = arith.index_cast %mul3A_55 : i32 to index
      %get3A_701 = tpu.vector_load %arg5[%get3A_699, %get3A_700] {strides = array<i32>} : memref<16x512xi32, #tpu.memory_space<vmem>>, vector<16xi32>,
      %shift_left3A_702 = arith.constant 6 : i32
      %shift_left3A_703 = vector.broadcast %shift_left3A_702 : i32 to vector<16xi32>
      %shift_left3A_704 = arith.shli %get3A_701, %shift_left3A_703 : vector<16xi32>
      %add3A_705 = arith.constant 1 : i32
      %add3A_706 = vector.broadcast %add3A_705 : i32 to vector<16xi32>
      %add3A_707 = arith.addi %convert_element_type3A_683, %add3A_706 : vector<16xi32>
      %shift_left3A_708 = arith.constant 4 : i32
      %shift_left3A_709 = vector.broadcast %shift_left3A_708 : i32 to vector<16xi32>
      %shift_left3A_710 = arith.shli %add3A_707, %shift_left3A_709 : vector<16xi32>
      %add3A_711 = arith.addi %shift_left3A_704, %shift_left3A_710 : vector<16xi32>
      %add3A_712 = arith.constant 1 : i32
      %add3A_713 = vector.broadcast %add3A_712 : i32 to vector<16xi32>
      %add3A_714 = arith.addi %convert_element_type3A_690, %add3A_713 : vector<16xi32>
      %shift_left3A_715 = arith.constant 2 : i32
      %shift_left3A_716 = vector.broadcast %shift_left3A_715 : i32 to vector<16xi32>
      %shift_left3A_717 = arith.shli %add3A_714, %shift_left3A_716 : vector<16xi32>
      %add3A_718 = arith.addi %add3A_711, %shift_left3A_717 : vector<16xi32>
      %add3A_719 = arith.constant 1 : i32
      %add3A_720 = vector.broadcast %add3A_719 : i32 to vector<16xi32>
      %add3A_721 = arith.addi %convert_element_type3A_697, %add3A_720 : vector<16xi32>
      %add3A_722 = arith.addi %add3A_718, %add3A_721 : vector<16xi32>
      %mul3A_723 = arith.constant 17 : i32
      %mul3A_724 = arith.muli %mul3A_55, %mul3A_723 : i32
      %add3A_725 = arith.constant 12 : i32
      %add3A_726 = arith.addi %mul3A_724, %add3A_725 : i32
      %add3A_727 = vector.broadcast %add3A_726 : i32 to vector<16xi32>
      %add3A_728 = arith.addi %mul3A_25, %add3A_727 : vector<16xi32>
      tpu.vector_store_idx %arg7[%add3A_728], %add3A_722 : memref<8704xi32, #tpu.memory_space<vmem>>[vector<16xi32>], vector<16xi32>,
      %get3A_729 = arith.constant 0 : i32
      %get3A_730 = arith.constant 13 : i32
      %get3A_731 = arith.index_cast %get3A_729 : i32 to index
      %get3A_732 = arith.index_cast %get3A_730 : i32 to index
      %get3A_733 = arith.index_cast %mul3A_55 : i32 to index
      %get3A_734 = tpu.vector_load %arg6[%get3A_731, %get3A_732, %get3A_733] {strides = array<i32>} : memref<3x16x512xf32, #tpu.memory_space<vmem>>, vector<16xf32>,
      %convert_element_type3A_735 = arith.fptosi %get3A_734 : vector<16xf32> to vector<16xi32>
      %get3A_736 = arith.constant 1 : i32
      %get3A_737 = arith.constant 13 : i32
      %get3A_738 = arith.index_cast %get3A_736 : i32 to index
      %get3A_739 = arith.index_cast %get3A_737 : i32 to index
      %get3A_740 = arith.index_cast %mul3A_55 : i32 to index
      %get3A_741 = tpu.vector_load %arg6[%get3A_738, %get3A_739, %get3A_740] {strides = array<i32>} : memref<3x16x512xf32, #tpu.memory_space<vmem>>, vector<16xf32>,
      %convert_element_type3A_742 = arith.fptosi %get3A_741 : vector<16xf32> to vector<16xi32>
      %get3A_743 = arith.constant 2 : i32
      %get3A_744 = arith.constant 13 : i32
      %get3A_745 = arith.index_cast %get3A_743 : i32 to index
      %get3A_746 = arith.index_cast %get3A_744 : i32 to index
      %get3A_747 = arith.index_cast %mul3A_55 : i32 to index
      %get3A_748 = tpu.vector_load %arg6[%get3A_745, %get3A_746, %get3A_747] {strides = array<i32>} : memref<3x16x512xf32, #tpu.memory_space<vmem>>, vector<16xf32>,
      %convert_element_type3A_749 = arith.fptosi %get3A_748 : vector<16xf32> to vector<16xi32>
      %get3A_750 = arith.constant 13 : i32
      %get3A_751 = arith.index_cast %get3A_750 : i32 to index
      %get3A_752 = arith.index_cast %mul3A_55 : i32 to index
      %get3A_753 = tpu.vector_load %arg5[%get3A_751, %get3A_752] {strides = array<i32>} : memref<16x512xi32, #tpu.memory_space<vmem>>, vector<16xi32>,
      %shift_left3A_754 = arith.constant 6 : i32
      %shift_left3A_755 = vector.broadcast %shift_left3A_754 : i32 to vector<16xi32>
      %shift_left3A_756 = arith.shli %get3A_753, %shift_left3A_755 : vector<16xi32>
      %add3A_757 = arith.constant 1 : i32
      %add3A_758 = vector.broadcast %add3A_757 : i32 to vector<16xi32>
      %add3A_759 = arith.addi %convert_element_type3A_735, %add3A_758 : vector<16xi32>
      %shift_left3A_760 = arith.constant 4 : i32
      %shift_left3A_761 = vector.broadcast %shift_left3A_760 : i32 to vector<16xi32>
      %shift_left3A_762 = arith.shli %add3A_759, %shift_left3A_761 : vector<16xi32>
      %add3A_763 = arith.addi %shift_left3A_756, %shift_left3A_762 : vector<16xi32>
      %add3A_764 = arith.constant 1 : i32
      %add3A_765 = vector.broadcast %add3A_764 : i32 to vector<16xi32>
      %add3A_766 = arith.addi %convert_element_type3A_742, %add3A_765 : vector<16xi32>
      %shift_left3A_767 = arith.constant 2 : i32
      %shift_left3A_768 = vector.broadcast %shift_left3A_767 : i32 to vector<16xi32>
      %shift_left3A_769 = arith.shli %add3A_766, %shift_left3A_768 : vector<16xi32>
      %add3A_770 = arith.addi %add3A_763, %shift_left3A_769 : vector<16xi32>
      %add3A_771 = arith.constant 1 : i32
      %add3A_772 = vector.broadcast %add3A_771 : i32 to vector<16xi32>
      %add3A_773 = arith.addi %convert_element_type3A_749, %add3A_772 : vector<16xi32>
      %add3A_774 = arith.addi %add3A_770, %add3A_773 : vector<16xi32>
      %mul3A_775 = arith.constant 17 : i32
      %mul3A_776 = arith.muli %mul3A_55, %mul3A_775 : i32
      %add3A_777 = arith.constant 13 : i32
      %add3A_778 = arith.addi %mul3A_776, %add3A_777 : i32
      %add3A_779 = vector.broadcast %add3A_778 : i32 to vector<16xi32>
      %add3A_780 = arith.addi %mul3A_25, %add3A_779 : vector<16xi32>
      tpu.vector_store_idx %arg7[%add3A_780], %add3A_774 : memref<8704xi32, #tpu.memory_space<vmem>>[vector<16xi32>], vector<16xi32>,
      %get3A_781 = arith.constant 0 : i32
      %get3A_782 = arith.constant 14 : i32
      %get3A_783 = arith.index_cast %get3A_781 : i32 to index
      %get3A_784 = arith.index_cast %get3A_782 : i32 to index
      %get3A_785 = arith.index_cast %mul3A_55 : i32 to index
      %get3A_786 = tpu.vector_load %arg6[%get3A_783, %get3A_784, %get3A_785] {strides = array<i32>} : memref<3x16x512xf32, #tpu.memory_space<vmem>>, vector<16xf32>,
      %convert_element_type3A_787 = arith.fptosi %get3A_786 : vector<16xf32> to vector<16xi32>
      %get3A_788 = arith.constant 1 : i32
      %get3A_789 = arith.constant 14 : i32
      %get3A_790 = arith.index_cast %get3A_788 : i32 to index
      %get3A_791 = arith.index_cast %get3A_789 : i32 to index
      %get3A_792 = arith.index_cast %mul3A_55 : i32 to index
      %get3A_793 = tpu.vector_load %arg6[%get3A_790, %get3A_791, %get3A_792] {strides = array<i32>} : memref<3x16x512xf32, #tpu.memory_space<vmem>>, vector<16xf32>,
      %convert_element_type3A_794 = arith.fptosi %get3A_793 : vector<16xf32> to vector<16xi32>
      %get3A_795 = arith.constant 2 : i32
      %get3A_796 = arith.constant 14 : i32
      %get3A_797 = arith.index_cast %get3A_795 : i32 to index
      %get3A_798 = arith.index_cast %get3A_796 : i32 to index
      %get3A_799 = arith.index_cast %mul3A_55 : i32 to index
      %get3A_800 = tpu.vector_load %arg6[%get3A_797, %get3A_798, %get3A_799] {strides = array<i32>} : memref<3x16x512xf32, #tpu.memory_space<vmem>>, vector<16xf32>,
      %convert_element_type3A_801 = arith.fptosi %get3A_800 : vector<16xf32> to vector<16xi32>
      %get3A_802 = arith.constant 14 : i32
      %get3A_803 = arith.index_cast %get3A_802 : i32 to index
      %get3A_804 = arith.index_cast %mul3A_55 : i32 to index
      %get3A_805 = tpu.vector_load %arg5[%get3A_803, %get3A_804] {strides = array<i32>} : memref<16x512xi32, #tpu.memory_space<vmem>>, vector<16xi32>,
      %shift_left3A_806 = arith.constant 6 : i32
      %shift_left3A_807 = vector.broadcast %shift_left3A_806 : i32 to vector<16xi32>
      %shift_left3A_808 = arith.shli %get3A_805, %shift_left3A_807 : vector<16xi32>
      %add3A_809 = arith.constant 1 : i32
      %add3A_810 = vector.broadcast %add3A_809 : i32 to vector<16xi32>
      %add3A_811 = arith.addi %convert_element_type3A_787, %add3A_810 : vector<16xi32>
      %shift_left3A_812 = arith.constant 4 : i32
      %shift_left3A_813 = vector.broadcast %shift_left3A_812 : i32 to vector<16xi32>
      %shift_left3A_814 = arith.shli %add3A_811, %shift_left3A_813 : vector<16xi32>
      %add3A_815 = arith.addi %shift_left3A_808, %shift_left3A_814 : vector<16xi32>
      %add3A_816 = arith.constant 1 : i32
      %add3A_817 = vector.broadcast %add3A_816 : i32 to vector<16xi32>
      %add3A_818 = arith.addi %convert_element_type3A_794, %add3A_817 : vector<16xi32>
      %shift_left3A_819 = arith.constant 2 : i32
      %shift_left3A_820 = vector.broadcast %shift_left3A_819 : i32 to vector<16xi32>
      %shift_left3A_821 = arith.shli %add3A_818, %shift_left3A_820 : vector<16xi32>
      %add3A_822 = arith.addi %add3A_815, %shift_left3A_821 : vector<16xi32>
      %add3A_823 = arith.constant 1 : i32
      %add3A_824 = vector.broadcast %add3A_823 : i32 to vector<16xi32>
      %add3A_825 = arith.addi %convert_element_type3A_801, %add3A_824 : vector<16xi32>
      %add3A_826 = arith.addi %add3A_822, %add3A_825 : vector<16xi32>
      %mul3A_827 = arith.constant 17 : i32
      %mul3A_828 = arith.muli %mul3A_55, %mul3A_827 : i32
      %add3A_829 = arith.constant 14 : i32
      %add3A_830 = arith.addi %mul3A_828, %add3A_829 : i32
      %add3A_831 = vector.broadcast %add3A_830 : i32 to vector<16xi32>
      %add3A_832 = arith.addi %mul3A_25, %add3A_831 : vector<16xi32>
      tpu.vector_store_idx %arg7[%add3A_832], %add3A_826 : memref<8704xi32, #tpu.memory_space<vmem>>[vector<16xi32>], vector<16xi32>,
      %get3A_833 = arith.constant 0 : i32
      %get3A_834 = arith.constant 15 : i32
      %get3A_835 = arith.index_cast %get3A_833 : i32 to index
      %get3A_836 = arith.index_cast %get3A_834 : i32 to index
      %get3A_837 = arith.index_cast %mul3A_55 : i32 to index
      %get3A_838 = tpu.vector_load %arg6[%get3A_835, %get3A_836, %get3A_837] {strides = array<i32>} : memref<3x16x512xf32, #tpu.memory_space<vmem>>, vector<16xf32>,
      %convert_element_type3A_839 = arith.fptosi %get3A_838 : vector<16xf32> to vector<16xi32>
      %get3A_840 = arith.constant 1 : i32
      %get3A_841 = arith.constant 15 : i32
      %get3A_842 = arith.index_cast %get3A_840 : i32 to index
      %get3A_843 = arith.index_cast %get3A_841 : i32 to index
      %get3A_844 = arith.index_cast %mul3A_55 : i32 to index
      %get3A_845 = tpu.vector_load %arg6[%get3A_842, %get3A_843, %get3A_844] {strides = array<i32>} : memref<3x16x512xf32, #tpu.memory_space<vmem>>, vector<16xf32>,
      %convert_element_type3A_846 = arith.fptosi %get3A_845 : vector<16xf32> to vector<16xi32>
      %get3A_847 = arith.constant 2 : i32
      %get3A_848 = arith.constant 15 : i32
      %get3A_849 = arith.index_cast %get3A_847 : i32 to index
      %get3A_850 = arith.index_cast %get3A_848 : i32 to index
      %get3A_851 = arith.index_cast %mul3A_55 : i32 to index
      %get3A_852 = tpu.vector_load %arg6[%get3A_849, %get3A_850, %get3A_851] {strides = array<i32>} : memref<3x16x512xf32, #tpu.memory_space<vmem>>, vector<16xf32>,
      %convert_element_type3A_853 = arith.fptosi %get3A_852 : vector<16xf32> to vector<16xi32>
      %get3A_854 = arith.constant 15 : i32
      %get3A_855 = arith.index_cast %get3A_854 : i32 to index
      %get3A_856 = arith.index_cast %mul3A_55 : i32 to index
      %get3A_857 = tpu.vector_load %arg5[%get3A_855, %get3A_856] {strides = array<i32>} : memref<16x512xi32, #tpu.memory_space<vmem>>, vector<16xi32>,
      %shift_left3A_858 = arith.constant 6 : i32
      %shift_left3A_859 = vector.broadcast %shift_left3A_858 : i32 to vector<16xi32>
      %shift_left3A_860 = arith.shli %get3A_857, %shift_left3A_859 : vector<16xi32>
      %add3A_861 = arith.constant 1 : i32
      %add3A_862 = vector.broadcast %add3A_861 : i32 to vector<16xi32>
      %add3A_863 = arith.addi %convert_element_type3A_839, %add3A_862 : vector<16xi32>
      %shift_left3A_864 = arith.constant 4 : i32
      %shift_left3A_865 = vector.broadcast %shift_left3A_864 : i32 to vector<16xi32>
      %shift_left3A_866 = arith.shli %add3A_863, %shift_left3A_865 : vector<16xi32>
      %add3A_867 = arith.addi %shift_left3A_860, %shift_left3A_866 : vector<16xi32>
      %add3A_868 = arith.constant 1 : i32
      %add3A_869 = vector.broadcast %add3A_868 : i32 to vector<16xi32>
      %add3A_870 = arith.addi %convert_element_type3A_846, %add3A_869 : vector<16xi32>
      %shift_left3A_871 = arith.constant 2 : i32
      %shift_left3A_872 = vector.broadcast %shift_left3A_871 : i32 to vector<16xi32>
      %shift_left3A_873 = arith.shli %add3A_870, %shift_left3A_872 : vector<16xi32>
      %add3A_874 = arith.addi %add3A_867, %shift_left3A_873 : vector<16xi32>
      %add3A_875 = arith.constant 1 : i32
      %add3A_876 = vector.broadcast %add3A_875 : i32 to vector<16xi32>
      %add3A_877 = arith.addi %convert_element_type3A_853, %add3A_876 : vector<16xi32>
      %add3A_878 = arith.addi %add3A_874, %add3A_877 : vector<16xi32>
      %mul3A_879 = arith.constant 17 : i32
      %mul3A_880 = arith.muli %mul3A_55, %mul3A_879 : i32
      %add3A_881 = arith.constant 15 : i32
      %add3A_882 = arith.addi %mul3A_880, %add3A_881 : i32
      %add3A_883 = vector.broadcast %add3A_882 : i32 to vector<16xi32>
      %add3A_884 = arith.addi %mul3A_25, %add3A_883 : vector<16xi32>
      tpu.vector_store_idx %arg7[%add3A_884], %add3A_878 : memref<8704xi32, #tpu.memory_space<vmem>>[vector<16xi32>], vector<16xi32>,
    }
    %scan3A_31 = arith.constant 32 : i32
    %mul3A_32 = arith.constant 16 : i32
    %mul3A_33 = arith.muli %select_n3A, %mul3A_32 : i32
    %sub3A_34 = arith.subi %add3A, %mul3A_33 : i32
    %ne3A_35 = vector.broadcast %sub3A_34 : i32 to vector<16xi32>
    %ne3A_36 = arith.cmpi ne, %iota3A, %ne3A_35 : vector<16xi32>
    %jit3A_37 = arith.constant 1.000000e+00 : f32
    %jit3A_38 = arith.constant 0.000000e+00 : f32
    %broadcast_in_dim3A_39 = vector.broadcast %jit3A_37 : f32 to vector<16xf32>
    %broadcast_in_dim3A_40 = vector.broadcast %jit3A_38 : f32 to vector<16xf32>
    %select_n3A_41 = arith.select %ne3A_36, %broadcast_in_dim3A_39, %broadcast_in_dim3A_40 : vector<16xi1>, vector<16xf32>
    %broadcast_in_dim3A_42 = vector.broadcast %sub3A_34 : i32 to vector<16xi32>
    %scan3A_43 = arith.constant 0 : i32
    %scan3A_44 = arith.constant 0 : i32
    %scan3A_45 = arith.constant 32 : i32
    %scan3A_46 = arith.addi %scan3A_44, %scan3A_45 : i32
    %scan3A_47 = arith.constant 1 : i32
    scf.for %scan3A_53 = %scan3A_44 to %scan3A_46 step %scan3A_47  : i32 {
      %mul3A_54 = arith.constant 16 : i32
      %mul3A_55 = arith.muli %scan3A_53, %mul3A_54 : i32
      %add3A_56 = arith.constant 0 : i32
      %add3A_57 = arith.addi %mul3A_55, %add3A_56 : i32
      %mul3A_58 = arith.constant 17 : i32
      %mul3A_59 = arith.muli %add3A_57, %mul3A_58 : i32
      %get3A = arith.index_cast %mul3A_59 : i32 to index
      %get3A_60 = tpu.vector_load %arg7[%get3A] {strides = array<i32>} : memref<8704xi32, #tpu.memory_space<vmem>>, vector<16xi32>,
      %lt3A = arith.constant 0 : i32
      %lt3A_61 = vector.broadcast %lt3A : i32 to vector<16xi32>
      %lt3A_62 = arith.cmpi slt, %broadcast_in_dim3A_42, %lt3A_61 : vector<16xi32>
      %add3A_63 = arith.constant 16 : i32
      %add3A_64 = vector.broadcast %add3A_63 : i32 to vector<16xi32>
      %add3A_65 = arith.addi %broadcast_in_dim3A_42, %add3A_64 : vector<16xi32>
      %select_n3A_66 = arith.select %lt3A_62, %add3A_65, %broadcast_in_dim3A_42 : vector<16xi1>, vector<16xi32>
      %broadcast_in_dim3A_67 = vector.shape_cast %select_n3A_66 : vector<16xi32> to vector<16x1xi32>
      %gather3A = vector.shape_cast %broadcast_in_dim3A_67 : vector<16x1xi32> to vector<16xi32>
      %gather3A_68 = tpu.dynamic_gather %get3A_60[%gather3A] in [0] : vector<16xi32>, vector<16xi32> -> vector<16xi32>
      %shift_right_arithmetic3A = arith.constant 6 : i32
      %shift_right_arithmetic3A_69 = vector.broadcast %shift_right_arithmetic3A : i32 to vector<16xi32>
      %shift_right_arithmetic3A_70 = arith.shrsi %gather3A_68, %shift_right_arithmetic3A_69 : vector<16xi32>
      %slice3A = vector.extract_strided_slice %shift_right_arithmetic3A_70 {offsets = [0], sizes = [1], strides = [1]} : vector<16xi32> to vector<1xi32>
      %squeeze3A = vector.extract %slice3A[0] : i32 from vector<1xi32>
      %mul3A_71 = arith.constant 17 : i32
      %mul3A_72 = arith.muli %squeeze3A, %mul3A_71 : i32
      %get3A_73 = arith.index_cast %mul3A_72 : i32 to index
      %get3A_74 = tpu.vector_load %arg7[%get3A_73] {strides = array<i32>} : memref<8704xi32, #tpu.memory_space<vmem>>, vector<16xi32>,
      %mul3A_75 = arith.constant 16 : i32
      %mul3A_76 = arith.muli %scan3A_53, %mul3A_75 : i32
      %add3A_77 = arith.constant 1 : i32
      %add3A_78 = arith.addi %mul3A_76, %add3A_77 : i32
      %mul3A_79 = arith.constant 17 : i32
      %mul3A_80 = arith.muli %add3A_78, %mul3A_79 : i32
      %get3A_81 = arith.index_cast %mul3A_80 : i32 to index
      %get3A_82 = tpu.vector_load %arg7[%get3A_81] {strides = array<i32>} : memref<8704xi32, #tpu.memory_space<vmem>>, vector<16xi32>,
      %lt3A_83 = arith.constant 0 : i32
      %lt3A_84 = vector.broadcast %lt3A_83 : i32 to vector<16xi32>
      %lt3A_85 = arith.cmpi slt, %broadcast_in_dim3A_42, %lt3A_84 : vector<16xi32>
      %add3A_86 = arith.constant 16 : i32
      %add3A_87 = vector.broadcast %add3A_86 : i32 to vector<16xi32>
      %add3A_88 = arith.addi %broadcast_in_dim3A_42, %add3A_87 : vector<16xi32>
      %select_n3A_89 = arith.select %lt3A_85, %add3A_88, %broadcast_in_dim3A_42 : vector<16xi1>, vector<16xi32>
      %broadcast_in_dim3A_90 = vector.shape_cast %select_n3A_89 : vector<16xi32> to vector<16x1xi32>
      %gather3A_91 = vector.shape_cast %broadcast_in_dim3A_90 : vector<16x1xi32> to vector<16xi32>
      %gather3A_92 = tpu.dynamic_gather %get3A_82[%gather3A_91] in [0] : vector<16xi32>, vector<16xi32> -> vector<16xi32>
      %shift_right_arithmetic3A_93 = arith.constant 6 : i32
      %shift_right_arithmetic3A_94 = vector.broadcast %shift_right_arithmetic3A_93 : i32 to vector<16xi32>
      %shift_right_arithmetic3A_95 = arith.shrsi %gather3A_92, %shift_right_arithmetic3A_94 : vector<16xi32>
      %slice3A_96 = vector.extract_strided_slice %shift_right_arithmetic3A_95 {offsets = [0], sizes = [1], strides = [1]} : vector<16xi32> to vector<1xi32>
      %squeeze3A_97 = vector.extract %slice3A_96[0] : i32 from vector<1xi32>
      %mul3A_98 = arith.constant 17 : i32
      %mul3A_99 = arith.muli %squeeze3A_97, %mul3A_98 : i32
      %get3A_100 = arith.index_cast %mul3A_99 : i32 to index
      %get3A_101 = tpu.vector_load %arg7[%get3A_100] {strides = array<i32>} : memref<8704xi32, #tpu.memory_space<vmem>>, vector<16xi32>,
      %mul3A_102 = arith.constant 16 : i32
      %mul3A_103 = arith.muli %scan3A_53, %mul3A_102 : i32
      %add3A_104 = arith.constant 2 : i32
      %add3A_105 = arith.addi %mul3A_103, %add3A_104 : i32
      %mul3A_106 = arith.constant 17 : i32
      %mul3A_107 = arith.muli %add3A_105, %mul3A_106 : i32
      %get3A_108 = arith.index_cast %mul3A_107 : i32 to index
      %get3A_109 = tpu.vector_load %arg7[%get3A_108] {strides = array<i32>} : memref<8704xi32, #tpu.memory_space<vmem>>, vector<16xi32>,
      %lt3A_110 = arith.constant 0 : i32
      %lt3A_111 = vector.broadcast %lt3A_110 : i32 to vector<16xi32>
      %lt3A_112 = arith.cmpi slt, %broadcast_in_dim3A_42, %lt3A_111 : vector<16xi32>
      %add3A_113 = arith.constant 16 : i32
      %add3A_114 = vector.broadcast %add3A_113 : i32 to vector<16xi32>
      %add3A_115 = arith.addi %broadcast_in_dim3A_42, %add3A_114 : vector<16xi32>
      %select_n3A_116 = arith.select %lt3A_112, %add3A_115, %broadcast_in_dim3A_42 : vector<16xi1>, vector<16xi32>
      %broadcast_in_dim3A_117 = vector.shape_cast %select_n3A_116 : vector<16xi32> to vector<16x1xi32>
      %gather3A_118 = vector.shape_cast %broadcast_in_dim3A_117 : vector<16x1xi32> to vector<16xi32>
      %gather3A_119 = tpu.dynamic_gather %get3A_109[%gather3A_118] in [0] : vector<16xi32>, vector<16xi32> -> vector<16xi32>
      %shift_right_arithmetic3A_120 = arith.constant 6 : i32
      %shift_right_arithmetic3A_121 = vector.broadcast %shift_right_arithmetic3A_120 : i32 to vector<16xi32>
      %shift_right_arithmetic3A_122 = arith.shrsi %gather3A_119, %shift_right_arithmetic3A_121 : vector<16xi32>
      %slice3A_123 = vector.extract_strided_slice %shift_right_arithmetic3A_122 {offsets = [0], sizes = [1], strides = [1]} : vector<16xi32> to vector<1xi32>
      %squeeze3A_124 = vector.extract %slice3A_123[0] : i32 from vector<1xi32>
      %mul3A_125 = arith.constant 17 : i32
      %mul3A_126 = arith.muli %squeeze3A_124, %mul3A_125 : i32
      %get3A_127 = arith.index_cast %mul3A_126 : i32 to index
      %get3A_128 = tpu.vector_load %arg7[%get3A_127] {strides = array<i32>} : memref<8704xi32, #tpu.memory_space<vmem>>, vector<16xi32>,
      %mul3A_129 = arith.constant 16 : i32
      %mul3A_130 = arith.muli %scan3A_53, %mul3A_129 : i32
      %add3A_131 = arith.constant 3 : i32
      %add3A_132 = arith.addi %mul3A_130, %add3A_131 : i32
      %mul3A_133 = arith.constant 17 : i32
      %mul3A_134 = arith.muli %add3A_132, %mul3A_133 : i32
      %get3A_135 = arith.index_cast %mul3A_134 : i32 to index
      %get3A_136 = tpu.vector_load %arg7[%get3A_135] {strides = array<i32>} : memref<8704xi32, #tpu.memory_space<vmem>>, vector<16xi32>,
      %lt3A_137 = arith.constant 0 : i32
      %lt3A_138 = vector.broadcast %lt3A_137 : i32 to vector<16xi32>
      %lt3A_139 = arith.cmpi slt, %broadcast_in_dim3A_42, %lt3A_138 : vector<16xi32>
      %add3A_140 = arith.constant 16 : i32
      %add3A_141 = vector.broadcast %add3A_140 : i32 to vector<16xi32>
      %add3A_142 = arith.addi %broadcast_in_dim3A_42, %add3A_141 : vector<16xi32>
      %select_n3A_143 = arith.select %lt3A_139, %add3A_142, %broadcast_in_dim3A_42 : vector<16xi1>, vector<16xi32>
      %broadcast_in_dim3A_144 = vector.shape_cast %select_n3A_143 : vector<16xi32> to vector<16x1xi32>
      %gather3A_145 = vector.shape_cast %broadcast_in_dim3A_144 : vector<16x1xi32> to vector<16xi32>
      %gather3A_146 = tpu.dynamic_gather %get3A_136[%gather3A_145] in [0] : vector<16xi32>, vector<16xi32> -> vector<16xi32>
      %shift_right_arithmetic3A_147 = arith.constant 6 : i32
      %shift_right_arithmetic3A_148 = vector.broadcast %shift_right_arithmetic3A_147 : i32 to vector<16xi32>
      %shift_right_arithmetic3A_149 = arith.shrsi %gather3A_146, %shift_right_arithmetic3A_148 : vector<16xi32>
      %slice3A_150 = vector.extract_strided_slice %shift_right_arithmetic3A_149 {offsets = [0], sizes = [1], strides = [1]} : vector<16xi32> to vector<1xi32>
      %squeeze3A_151 = vector.extract %slice3A_150[0] : i32 from vector<1xi32>
      %mul3A_152 = arith.constant 17 : i32
      %mul3A_153 = arith.muli %squeeze3A_151, %mul3A_152 : i32
      %get3A_154 = arith.index_cast %mul3A_153 : i32 to index
      %get3A_155 = tpu.vector_load %arg7[%get3A_154] {strides = array<i32>} : memref<8704xi32, #tpu.memory_space<vmem>>, vector<16xi32>,
      %mul3A_156 = arith.constant 16 : i32
      %mul3A_157 = arith.muli %scan3A_53, %mul3A_156 : i32
      %add3A_158 = arith.constant 4 : i32
      %add3A_159 = arith.addi %mul3A_157, %add3A_158 : i32
      %mul3A_160 = arith.constant 17 : i32
      %mul3A_161 = arith.muli %add3A_159, %mul3A_160 : i32
      %get3A_162 = arith.index_cast %mul3A_161 : i32 to index
      %get3A_163 = tpu.vector_load %arg7[%get3A_162] {strides = array<i32>} : memref<8704xi32, #tpu.memory_space<vmem>>, vector<16xi32>,
      %lt3A_164 = arith.constant 0 : i32
      %lt3A_165 = vector.broadcast %lt3A_164 : i32 to vector<16xi32>
      %lt3A_166 = arith.cmpi slt, %broadcast_in_dim3A_42, %lt3A_165 : vector<16xi32>
      %add3A_167 = arith.constant 16 : i32
      %add3A_168 = vector.broadcast %add3A_167 : i32 to vector<16xi32>
      %add3A_169 = arith.addi %broadcast_in_dim3A_42, %add3A_168 : vector<16xi32>
      %select_n3A_170 = arith.select %lt3A_166, %add3A_169, %broadcast_in_dim3A_42 : vector<16xi1>, vector<16xi32>
      %broadcast_in_dim3A_171 = vector.shape_cast %select_n3A_170 : vector<16xi32> to vector<16x1xi32>
      %gather3A_172 = vector.shape_cast %broadcast_in_dim3A_171 : vector<16x1xi32> to vector<16xi32>
      %gather3A_173 = tpu.dynamic_gather %get3A_163[%gather3A_172] in [0] : vector<16xi32>, vector<16xi32> -> vector<16xi32>
      %shift_right_arithmetic3A_174 = arith.constant 6 : i32
      %shift_right_arithmetic3A_175 = vector.broadcast %shift_right_arithmetic3A_174 : i32 to vector<16xi32>
      %shift_right_arithmetic3A_176 = arith.shrsi %gather3A_173, %shift_right_arithmetic3A_175 : vector<16xi32>
      %slice3A_177 = vector.extract_strided_slice %shift_right_arithmetic3A_176 {offsets = [0], sizes = [1], strides = [1]} : vector<16xi32> to vector<1xi32>
      %squeeze3A_178 = vector.extract %slice3A_177[0] : i32 from vector<1xi32>
      %mul3A_179 = arith.constant 17 : i32
      %mul3A_180 = arith.muli %squeeze3A_178, %mul3A_179 : i32
      %get3A_181 = arith.index_cast %mul3A_180 : i32 to index
      %get3A_182 = tpu.vector_load %arg7[%get3A_181] {strides = array<i32>} : memref<8704xi32, #tpu.memory_space<vmem>>, vector<16xi32>,
      %mul3A_183 = arith.constant 16 : i32
      %mul3A_184 = arith.muli %scan3A_53, %mul3A_183 : i32
      %add3A_185 = arith.constant 5 : i32
      %add3A_186 = arith.addi %mul3A_184, %add3A_185 : i32
      %mul3A_187 = arith.constant 17 : i32
      %mul3A_188 = arith.muli %add3A_186, %mul3A_187 : i32
      %get3A_189 = arith.index_cast %mul3A_188 : i32 to index
      %get3A_190 = tpu.vector_load %arg7[%get3A_189] {strides = array<i32>} : memref<8704xi32, #tpu.memory_space<vmem>>, vector<16xi32>,
      %lt3A_191 = arith.constant 0 : i32
      %lt3A_192 = vector.broadcast %lt3A_191 : i32 to vector<16xi32>
      %lt3A_193 = arith.cmpi slt, %broadcast_in_dim3A_42, %lt3A_192 : vector<16xi32>
      %add3A_194 = arith.constant 16 : i32
      %add3A_195 = vector.broadcast %add3A_194 : i32 to vector<16xi32>
      %add3A_196 = arith.addi %broadcast_in_dim3A_42, %add3A_195 : vector<16xi32>
      %select_n3A_197 = arith.select %lt3A_193, %add3A_196, %broadcast_in_dim3A_42 : vector<16xi1>, vector<16xi32>
      %broadcast_in_dim3A_198 = vector.shape_cast %select_n3A_197 : vector<16xi32> to vector<16x1xi32>
      %gather3A_199 = vector.shape_cast %broadcast_in_dim3A_198 : vector<16x1xi32> to vector<16xi32>
      %gather3A_200 = tpu.dynamic_gather %get3A_190[%gather3A_199] in [0] : vector<16xi32>, vector<16xi32> -> vector<16xi32>
      %shift_right_arithmetic3A_201 = arith.constant 6 : i32
      %shift_right_arithmetic3A_202 = vector.broadcast %shift_right_arithmetic3A_201 : i32 to vector<16xi32>
      %shift_right_arithmetic3A_203 = arith.shrsi %gather3A_200, %shift_right_arithmetic3A_202 : vector<16xi32>
      %slice3A_204 = vector.extract_strided_slice %shift_right_arithmetic3A_203 {offsets = [0], sizes = [1], strides = [1]} : vector<16xi32> to vector<1xi32>
      %squeeze3A_205 = vector.extract %slice3A_204[0] : i32 from vector<1xi32>
      %mul3A_206 = arith.constant 17 : i32
      %mul3A_207 = arith.muli %squeeze3A_205, %mul3A_206 : i32
      %get3A_208 = arith.index_cast %mul3A_207 : i32 to index
      %get3A_209 = tpu.vector_load %arg7[%get3A_208] {strides = array<i32>} : memref<8704xi32, #tpu.memory_space<vmem>>, vector<16xi32>,
      %mul3A_210 = arith.constant 16 : i32
      %mul3A_211 = arith.muli %scan3A_53, %mul3A_210 : i32
      %add3A_212 = arith.constant 6 : i32
      %add3A_213 = arith.addi %mul3A_211, %add3A_212 : i32
      %mul3A_214 = arith.constant 17 : i32
      %mul3A_215 = arith.muli %add3A_213, %mul3A_214 : i32
      %get3A_216 = arith.index_cast %mul3A_215 : i32 to index
      %get3A_217 = tpu.vector_load %arg7[%get3A_216] {strides = array<i32>} : memref<8704xi32, #tpu.memory_space<vmem>>, vector<16xi32>,
      %lt3A_218 = arith.constant 0 : i32
      %lt3A_219 = vector.broadcast %lt3A_218 : i32 to vector<16xi32>
      %lt3A_220 = arith.cmpi slt, %broadcast_in_dim3A_42, %lt3A_219 : vector<16xi32>
      %add3A_221 = arith.constant 16 : i32
      %add3A_222 = vector.broadcast %add3A_221 : i32 to vector<16xi32>
      %add3A_223 = arith.addi %broadcast_in_dim3A_42, %add3A_222 : vector<16xi32>
      %select_n3A_224 = arith.select %lt3A_220, %add3A_223, %broadcast_in_dim3A_42 : vector<16xi1>, vector<16xi32>
      %broadcast_in_dim3A_225 = vector.shape_cast %select_n3A_224 : vector<16xi32> to vector<16x1xi32>
      %gather3A_226 = vector.shape_cast %broadcast_in_dim3A_225 : vector<16x1xi32> to vector<16xi32>
      %gather3A_227 = tpu.dynamic_gather %get3A_217[%gather3A_226] in [0] : vector<16xi32>, vector<16xi32> -> vector<16xi32>
      %shift_right_arithmetic3A_228 = arith.constant 6 : i32
      %shift_right_arithmetic3A_229 = vector.broadcast %shift_right_arithmetic3A_228 : i32 to vector<16xi32>
      %shift_right_arithmetic3A_230 = arith.shrsi %gather3A_227, %shift_right_arithmetic3A_229 : vector<16xi32>
      %slice3A_231 = vector.extract_strided_slice %shift_right_arithmetic3A_230 {offsets = [0], sizes = [1], strides = [1]} : vector<16xi32> to vector<1xi32>
      %squeeze3A_232 = vector.extract %slice3A_231[0] : i32 from vector<1xi32>
      %mul3A_233 = arith.constant 17 : i32
      %mul3A_234 = arith.muli %squeeze3A_232, %mul3A_233 : i32
      %get3A_235 = arith.index_cast %mul3A_234 : i32 to index
      %get3A_236 = tpu.vector_load %arg7[%get3A_235] {strides = array<i32>} : memref<8704xi32, #tpu.memory_space<vmem>>, vector<16xi32>,
      %mul3A_237 = arith.constant 16 : i32
      %mul3A_238 = arith.muli %scan3A_53, %mul3A_237 : i32
      %add3A_239 = arith.constant 7 : i32
      %add3A_240 = arith.addi %mul3A_238, %add3A_239 : i32
      %mul3A_241 = arith.constant 17 : i32
      %mul3A_242 = arith.muli %add3A_240, %mul3A_241 : i32
      %get3A_243 = arith.index_cast %mul3A_242 : i32 to index
      %get3A_244 = tpu.vector_load %arg7[%get3A_243] {strides = array<i32>} : memref<8704xi32, #tpu.memory_space<vmem>>, vector<16xi32>,
      %lt3A_245 = arith.constant 0 : i32
      %lt3A_246 = vector.broadcast %lt3A_245 : i32 to vector<16xi32>
      %lt3A_247 = arith.cmpi slt, %broadcast_in_dim3A_42, %lt3A_246 : vector<16xi32>
      %add3A_248 = arith.constant 16 : i32
      %add3A_249 = vector.broadcast %add3A_248 : i32 to vector<16xi32>
      %add3A_250 = arith.addi %broadcast_in_dim3A_42, %add3A_249 : vector<16xi32>
      %select_n3A_251 = arith.select %lt3A_247, %add3A_250, %broadcast_in_dim3A_42 : vector<16xi1>, vector<16xi32>
      %broadcast_in_dim3A_252 = vector.shape_cast %select_n3A_251 : vector<16xi32> to vector<16x1xi32>
      %gather3A_253 = vector.shape_cast %broadcast_in_dim3A_252 : vector<16x1xi32> to vector<16xi32>
      %gather3A_254 = tpu.dynamic_gather %get3A_244[%gather3A_253] in [0] : vector<16xi32>, vector<16xi32> -> vector<16xi32>
      %shift_right_arithmetic3A_255 = arith.constant 6 : i32
      %shift_right_arithmetic3A_256 = vector.broadcast %shift_right_arithmetic3A_255 : i32 to vector<16xi32>
      %shift_right_arithmetic3A_257 = arith.shrsi %gather3A_254, %shift_right_arithmetic3A_256 : vector<16xi32>
      %slice3A_258 = vector.extract_strided_slice %shift_right_arithmetic3A_257 {offsets = [0], sizes = [1], strides = [1]} : vector<16xi32> to vector<1xi32>
      %squeeze3A_259 = vector.extract %slice3A_258[0] : i32 from vector<1xi32>
      %mul3A_260 = arith.constant 17 : i32
      %mul3A_261 = arith.muli %squeeze3A_259, %mul3A_260 : i32
      %get3A_262 = arith.index_cast %mul3A_261 : i32 to index
      %get3A_263 = tpu.vector_load %arg7[%get3A_262] {strides = array<i32>} : memref<8704xi32, #tpu.memory_space<vmem>>, vector<16xi32>,
      %mul3A_264 = arith.constant 16 : i32
      %mul3A_265 = arith.muli %scan3A_53, %mul3A_264 : i32
      %add3A_266 = arith.constant 8 : i32
      %add3A_267 = arith.addi %mul3A_265, %add3A_266 : i32
      %mul3A_268 = arith.constant 17 : i32
      %mul3A_269 = arith.muli %add3A_267, %mul3A_268 : i32
      %get3A_270 = arith.index_cast %mul3A_269 : i32 to index
      %get3A_271 = tpu.vector_load %arg7[%get3A_270] {strides = array<i32>} : memref<8704xi32, #tpu.memory_space<vmem>>, vector<16xi32>,
      %lt3A_272 = arith.constant 0 : i32
      %lt3A_273 = vector.broadcast %lt3A_272 : i32 to vector<16xi32>
      %lt3A_274 = arith.cmpi slt, %broadcast_in_dim3A_42, %lt3A_273 : vector<16xi32>
      %add3A_275 = arith.constant 16 : i32
      %add3A_276 = vector.broadcast %add3A_275 : i32 to vector<16xi32>
      %add3A_277 = arith.addi %broadcast_in_dim3A_42, %add3A_276 : vector<16xi32>
      %select_n3A_278 = arith.select %lt3A_274, %add3A_277, %broadcast_in_dim3A_42 : vector<16xi1>, vector<16xi32>
      %broadcast_in_dim3A_279 = vector.shape_cast %select_n3A_278 : vector<16xi32> to vector<16x1xi32>
      %gather3A_280 = vector.shape_cast %broadcast_in_dim3A_279 : vector<16x1xi32> to vector<16xi32>
      %gather3A_281 = tpu.dynamic_gather %get3A_271[%gather3A_280] in [0] : vector<16xi32>, vector<16xi32> -> vector<16xi32>
      %shift_right_arithmetic3A_282 = arith.constant 6 : i32
      %shift_right_arithmetic3A_283 = vector.broadcast %shift_right_arithmetic3A_282 : i32 to vector<16xi32>
      %shift_right_arithmetic3A_284 = arith.shrsi %gather3A_281, %shift_right_arithmetic3A_283 : vector<16xi32>
      %slice3A_285 = vector.extract_strided_slice %shift_right_arithmetic3A_284 {offsets = [0], sizes = [1], strides = [1]} : vector<16xi32> to vector<1xi32>
      %squeeze3A_286 = vector.extract %slice3A_285[0] : i32 from vector<1xi32>
      %mul3A_287 = arith.constant 17 : i32
      %mul3A_288 = arith.muli %squeeze3A_286, %mul3A_287 : i32
      %get3A_289 = arith.index_cast %mul3A_288 : i32 to index
      %get3A_290 = tpu.vector_load %arg7[%get3A_289] {strides = array<i32>} : memref<8704xi32, #tpu.memory_space<vmem>>, vector<16xi32>,
      %mul3A_291 = arith.constant 16 : i32
      %mul3A_292 = arith.muli %scan3A_53, %mul3A_291 : i32
      %add3A_293 = arith.constant 9 : i32
      %add3A_294 = arith.addi %mul3A_292, %add3A_293 : i32
      %mul3A_295 = arith.constant 17 : i32
      %mul3A_296 = arith.muli %add3A_294, %mul3A_295 : i32
      %get3A_297 = arith.index_cast %mul3A_296 : i32 to index
      %get3A_298 = tpu.vector_load %arg7[%get3A_297] {strides = array<i32>} : memref<8704xi32, #tpu.memory_space<vmem>>, vector<16xi32>,
      %lt3A_299 = arith.constant 0 : i32
      %lt3A_300 = vector.broadcast %lt3A_299 : i32 to vector<16xi32>
      %lt3A_301 = arith.cmpi slt, %broadcast_in_dim3A_42, %lt3A_300 : vector<16xi32>
      %add3A_302 = arith.constant 16 : i32
      %add3A_303 = vector.broadcast %add3A_302 : i32 to vector<16xi32>
      %add3A_304 = arith.addi %broadcast_in_dim3A_42, %add3A_303 : vector<16xi32>
      %select_n3A_305 = arith.select %lt3A_301, %add3A_304, %broadcast_in_dim3A_42 : vector<16xi1>, vector<16xi32>
      %broadcast_in_dim3A_306 = vector.shape_cast %select_n3A_305 : vector<16xi32> to vector<16x1xi32>
      %gather3A_307 = vector.shape_cast %broadcast_in_dim3A_306 : vector<16x1xi32> to vector<16xi32>
      %gather3A_308 = tpu.dynamic_gather %get3A_298[%gather3A_307] in [0] : vector<16xi32>, vector<16xi32> -> vector<16xi32>
      %shift_right_arithmetic3A_309 = arith.constant 6 : i32
      %shift_right_arithmetic3A_310 = vector.broadcast %shift_right_arithmetic3A_309 : i32 to vector<16xi32>
      %shift_right_arithmetic3A_311 = arith.shrsi %gather3A_308, %shift_right_arithmetic3A_310 : vector<16xi32>
      %slice3A_312 = vector.extract_strided_slice %shift_right_arithmetic3A_311 {offsets = [0], sizes = [1], strides = [1]} : vector<16xi32> to vector<1xi32>
      %squeeze3A_313 = vector.extract %slice3A_312[0] : i32 from vector<1xi32>
      %mul3A_314 = arith.constant 17 : i32
      %mul3A_315 = arith.muli %squeeze3A_313, %mul3A_314 : i32
      %get3A_316 = arith.index_cast %mul3A_315 : i32 to index
      %get3A_317 = tpu.vector_load %arg7[%get3A_316] {strides = array<i32>} : memref<8704xi32, #tpu.memory_space<vmem>>, vector<16xi32>,
      %mul3A_318 = arith.constant 16 : i32
      %mul3A_319 = arith.muli %scan3A_53, %mul3A_318 : i32
      %add3A_320 = arith.constant 10 : i32
      %add3A_321 = arith.addi %mul3A_319, %add3A_320 : i32
      %mul3A_322 = arith.constant 17 : i32
      %mul3A_323 = arith.muli %add3A_321, %mul3A_322 : i32
      %get3A_324 = arith.index_cast %mul3A_323 : i32 to index
      %get3A_325 = tpu.vector_load %arg7[%get3A_324] {strides = array<i32>} : memref<8704xi32, #tpu.memory_space<vmem>>, vector<16xi32>,
      %lt3A_326 = arith.constant 0 : i32
      %lt3A_327 = vector.broadcast %lt3A_326 : i32 to vector<16xi32>
      %lt3A_328 = arith.cmpi slt, %broadcast_in_dim3A_42, %lt3A_327 : vector<16xi32>
      %add3A_329 = arith.constant 16 : i32
      %add3A_330 = vector.broadcast %add3A_329 : i32 to vector<16xi32>
      %add3A_331 = arith.addi %broadcast_in_dim3A_42, %add3A_330 : vector<16xi32>
      %select_n3A_332 = arith.select %lt3A_328, %add3A_331, %broadcast_in_dim3A_42 : vector<16xi1>, vector<16xi32>
      %broadcast_in_dim3A_333 = vector.shape_cast %select_n3A_332 : vector<16xi32> to vector<16x1xi32>
      %gather3A_334 = vector.shape_cast %broadcast_in_dim3A_333 : vector<16x1xi32> to vector<16xi32>
      %gather3A_335 = tpu.dynamic_gather %get3A_325[%gather3A_334] in [0] : vector<16xi32>, vector<16xi32> -> vector<16xi32>
      %shift_right_arithmetic3A_336 = arith.constant 6 : i32
      %shift_right_arithmetic3A_337 = vector.broadcast %shift_right_arithmetic3A_336 : i32 to vector<16xi32>
      %shift_right_arithmetic3A_338 = arith.shrsi %gather3A_335, %shift_right_arithmetic3A_337 : vector<16xi32>
      %slice3A_339 = vector.extract_strided_slice %shift_right_arithmetic3A_338 {offsets = [0], sizes = [1], strides = [1]} : vector<16xi32> to vector<1xi32>
      %squeeze3A_340 = vector.extract %slice3A_339[0] : i32 from vector<1xi32>
      %mul3A_341 = arith.constant 17 : i32
      %mul3A_342 = arith.muli %squeeze3A_340, %mul3A_341 : i32
      %get3A_343 = arith.index_cast %mul3A_342 : i32 to index
      %get3A_344 = tpu.vector_load %arg7[%get3A_343] {strides = array<i32>} : memref<8704xi32, #tpu.memory_space<vmem>>, vector<16xi32>,
      %mul3A_345 = arith.constant 16 : i32
      %mul3A_346 = arith.muli %scan3A_53, %mul3A_345 : i32
      %add3A_347 = arith.constant 11 : i32
      %add3A_348 = arith.addi %mul3A_346, %add3A_347 : i32
      %mul3A_349 = arith.constant 17 : i32
      %mul3A_350 = arith.muli %add3A_348, %mul3A_349 : i32
      %get3A_351 = arith.index_cast %mul3A_350 : i32 to index
      %get3A_352 = tpu.vector_load %arg7[%get3A_351] {strides = array<i32>} : memref<8704xi32, #tpu.memory_space<vmem>>, vector<16xi32>,
      %lt3A_353 = arith.constant 0 : i32
      %lt3A_354 = vector.broadcast %lt3A_353 : i32 to vector<16xi32>
      %lt3A_355 = arith.cmpi slt, %broadcast_in_dim3A_42, %lt3A_354 : vector<16xi32>
      %add3A_356 = arith.constant 16 : i32
      %add3A_357 = vector.broadcast %add3A_356 : i32 to vector<16xi32>
      %add3A_358 = arith.addi %broadcast_in_dim3A_42, %add3A_357 : vector<16xi32>
      %select_n3A_359 = arith.select %lt3A_355, %add3A_358, %broadcast_in_dim3A_42 : vector<16xi1>, vector<16xi32>
      %broadcast_in_dim3A_360 = vector.shape_cast %select_n3A_359 : vector<16xi32> to vector<16x1xi32>
      %gather3A_361 = vector.shape_cast %broadcast_in_dim3A_360 : vector<16x1xi32> to vector<16xi32>
      %gather3A_362 = tpu.dynamic_gather %get3A_352[%gather3A_361] in [0] : vector<16xi32>, vector<16xi32> -> vector<16xi32>
      %shift_right_arithmetic3A_363 = arith.constant 6 : i32
      %shift_right_arithmetic3A_364 = vector.broadcast %shift_right_arithmetic3A_363 : i32 to vector<16xi32>
      %shift_right_arithmetic3A_365 = arith.shrsi %gather3A_362, %shift_right_arithmetic3A_364 : vector<16xi32>
      %slice3A_366 = vector.extract_strided_slice %shift_right_arithmetic3A_365 {offsets = [0], sizes = [1], strides = [1]} : vector<16xi32> to vector<1xi32>
      %squeeze3A_367 = vector.extract %slice3A_366[0] : i32 from vector<1xi32>
      %mul3A_368 = arith.constant 17 : i32
      %mul3A_369 = arith.muli %squeeze3A_367, %mul3A_368 : i32
      %get3A_370 = arith.index_cast %mul3A_369 : i32 to index
      %get3A_371 = tpu.vector_load %arg7[%get3A_370] {strides = array<i32>} : memref<8704xi32, #tpu.memory_space<vmem>>, vector<16xi32>,
      %mul3A_372 = arith.constant 16 : i32
      %mul3A_373 = arith.muli %scan3A_53, %mul3A_372 : i32
      %add3A_374 = arith.constant 12 : i32
      %add3A_375 = arith.addi %mul3A_373, %add3A_374 : i32
      %mul3A_376 = arith.constant 17 : i32
      %mul3A_377 = arith.muli %add3A_375, %mul3A_376 : i32
      %get3A_378 = arith.index_cast %mul3A_377 : i32 to index
      %get3A_379 = tpu.vector_load %arg7[%get3A_378] {strides = array<i32>} : memref<8704xi32, #tpu.memory_space<vmem>>, vector<16xi32>,
      %lt3A_380 = arith.constant 0 : i32
      %lt3A_381 = vector.broadcast %lt3A_380 : i32 to vector<16xi32>
      %lt3A_382 = arith.cmpi slt, %broadcast_in_dim3A_42, %lt3A_381 : vector<16xi32>
      %add3A_383 = arith.constant 16 : i32
      %add3A_384 = vector.broadcast %add3A_383 : i32 to vector<16xi32>
      %add3A_385 = arith.addi %broadcast_in_dim3A_42, %add3A_384 : vector<16xi32>
      %select_n3A_386 = arith.select %lt3A_382, %add3A_385, %broadcast_in_dim3A_42 : vector<16xi1>, vector<16xi32>
      %broadcast_in_dim3A_387 = vector.shape_cast %select_n3A_386 : vector<16xi32> to vector<16x1xi32>
      %gather3A_388 = vector.shape_cast %broadcast_in_dim3A_387 : vector<16x1xi32> to vector<16xi32>
      %gather3A_389 = tpu.dynamic_gather %get3A_379[%gather3A_388] in [0] : vector<16xi32>, vector<16xi32> -> vector<16xi32>
      %shift_right_arithmetic3A_390 = arith.constant 6 : i32
      %shift_right_arithmetic3A_391 = vector.broadcast %shift_right_arithmetic3A_390 : i32 to vector<16xi32>
      %shift_right_arithmetic3A_392 = arith.shrsi %gather3A_389, %shift_right_arithmetic3A_391 : vector<16xi32>
      %slice3A_393 = vector.extract_strided_slice %shift_right_arithmetic3A_392 {offsets = [0], sizes = [1], strides = [1]} : vector<16xi32> to vector<1xi32>
      %squeeze3A_394 = vector.extract %slice3A_393[0] : i32 from vector<1xi32>
      %mul3A_395 = arith.constant 17 : i32
      %mul3A_396 = arith.muli %squeeze3A_394, %mul3A_395 : i32
      %get3A_397 = arith.index_cast %mul3A_396 : i32 to index
      %get3A_398 = tpu.vector_load %arg7[%get3A_397] {strides = array<i32>} : memref<8704xi32, #tpu.memory_space<vmem>>, vector<16xi32>,
      %mul3A_399 = arith.constant 16 : i32
      %mul3A_400 = arith.muli %scan3A_53, %mul3A_399 : i32
      %add3A_401 = arith.constant 13 : i32
      %add3A_402 = arith.addi %mul3A_400, %add3A_401 : i32
      %mul3A_403 = arith.constant 17 : i32
      %mul3A_404 = arith.muli %add3A_402, %mul3A_403 : i32
      %get3A_405 = arith.index_cast %mul3A_404 : i32 to index
      %get3A_406 = tpu.vector_load %arg7[%get3A_405] {strides = array<i32>} : memref<8704xi32, #tpu.memory_space<vmem>>, vector<16xi32>,
      %lt3A_407 = arith.constant 0 : i32
      %lt3A_408 = vector.broadcast %lt3A_407 : i32 to vector<16xi32>
      %lt3A_409 = arith.cmpi slt, %broadcast_in_dim3A_42, %lt3A_408 : vector<16xi32>
      %add3A_410 = arith.constant 16 : i32
      %add3A_411 = vector.broadcast %add3A_410 : i32 to vector<16xi32>
      %add3A_412 = arith.addi %broadcast_in_dim3A_42, %add3A_411 : vector<16xi32>
      %select_n3A_413 = arith.select %lt3A_409, %add3A_412, %broadcast_in_dim3A_42 : vector<16xi1>, vector<16xi32>
      %broadcast_in_dim3A_414 = vector.shape_cast %select_n3A_413 : vector<16xi32> to vector<16x1xi32>
      %gather3A_415 = vector.shape_cast %broadcast_in_dim3A_414 : vector<16x1xi32> to vector<16xi32>
      %gather3A_416 = tpu.dynamic_gather %get3A_406[%gather3A_415] in [0] : vector<16xi32>, vector<16xi32> -> vector<16xi32>
      %shift_right_arithmetic3A_417 = arith.constant 6 : i32
      %shift_right_arithmetic3A_418 = vector.broadcast %shift_right_arithmetic3A_417 : i32 to vector<16xi32>
      %shift_right_arithmetic3A_419 = arith.shrsi %gather3A_416, %shift_right_arithmetic3A_418 : vector<16xi32>
      %slice3A_420 = vector.extract_strided_slice %shift_right_arithmetic3A_419 {offsets = [0], sizes = [1], strides = [1]} : vector<16xi32> to vector<1xi32>
      %squeeze3A_421 = vector.extract %slice3A_420[0] : i32 from vector<1xi32>
      %mul3A_422 = arith.constant 17 : i32
      %mul3A_423 = arith.muli %squeeze3A_421, %mul3A_422 : i32
      %get3A_424 = arith.index_cast %mul3A_423 : i32 to index
      %get3A_425 = tpu.vector_load %arg7[%get3A_424] {strides = array<i32>} : memref<8704xi32, #tpu.memory_space<vmem>>, vector<16xi32>,
      %mul3A_426 = arith.constant 16 : i32
      %mul3A_427 = arith.muli %scan3A_53, %mul3A_426 : i32
      %add3A_428 = arith.constant 14 : i32
      %add3A_429 = arith.addi %mul3A_427, %add3A_428 : i32
      %mul3A_430 = arith.constant 17 : i32
      %mul3A_431 = arith.muli %add3A_429, %mul3A_430 : i32
      %get3A_432 = arith.index_cast %mul3A_431 : i32 to index
      %get3A_433 = tpu.vector_load %arg7[%get3A_432] {strides = array<i32>} : memref<8704xi32, #tpu.memory_space<vmem>>, vector<16xi32>,
      %lt3A_434 = arith.constant 0 : i32
      %lt3A_435 = vector.broadcast %lt3A_434 : i32 to vector<16xi32>
      %lt3A_436 = arith.cmpi slt, %broadcast_in_dim3A_42, %lt3A_435 : vector<16xi32>
      %add3A_437 = arith.constant 16 : i32
      %add3A_438 = vector.broadcast %add3A_437 : i32 to vector<16xi32>
      %add3A_439 = arith.addi %broadcast_in_dim3A_42, %add3A_438 : vector<16xi32>
      %select_n3A_440 = arith.select %lt3A_436, %add3A_439, %broadcast_in_dim3A_42 : vector<16xi1>, vector<16xi32>
      %broadcast_in_dim3A_441 = vector.shape_cast %select_n3A_440 : vector<16xi32> to vector<16x1xi32>
      %gather3A_442 = vector.shape_cast %broadcast_in_dim3A_441 : vector<16x1xi32> to vector<16xi32>
      %gather3A_443 = tpu.dynamic_gather %get3A_433[%gather3A_442] in [0] : vector<16xi32>, vector<16xi32> -> vector<16xi32>
      %shift_right_arithmetic3A_444 = arith.constant 6 : i32
      %shift_right_arithmetic3A_445 = vector.broadcast %shift_right_arithmetic3A_444 : i32 to vector<16xi32>
      %shift_right_arithmetic3A_446 = arith.shrsi %gather3A_443, %shift_right_arithmetic3A_445 : vector<16xi32>
      %slice3A_447 = vector.extract_strided_slice %shift_right_arithmetic3A_446 {offsets = [0], sizes = [1], strides = [1]} : vector<16xi32> to vector<1xi32>
      %squeeze3A_448 = vector.extract %slice3A_447[0] : i32 from vector<1xi32>
      %mul3A_449 = arith.constant 17 : i32
      %mul3A_450 = arith.muli %squeeze3A_448, %mul3A_449 : i32
      %get3A_451 = arith.index_cast %mul3A_450 : i32 to index
      %get3A_452 = tpu.vector_load %arg7[%get3A_451] {strides = array<i32>} : memref<8704xi32, #tpu.memory_space<vmem>>, vector<16xi32>,
      %mul3A_453 = arith.constant 16 : i32
      %mul3A_454 = arith.muli %scan3A_53, %mul3A_453 : i32
      %add3A_455 = arith.constant 15 : i32
      %add3A_456 = arith.addi %mul3A_454, %add3A_455 : i32
      %mul3A_457 = arith.constant 17 : i32
      %mul3A_458 = arith.muli %add3A_456, %mul3A_457 : i32
      %get3A_459 = arith.index_cast %mul3A_458 : i32 to index
      %get3A_460 = tpu.vector_load %arg7[%get3A_459] {strides = array<i32>} : memref<8704xi32, #tpu.memory_space<vmem>>, vector<16xi32>,
      %lt3A_461 = arith.constant 0 : i32
      %lt3A_462 = vector.broadcast %lt3A_461 : i32 to vector<16xi32>
      %lt3A_463 = arith.cmpi slt, %broadcast_in_dim3A_42, %lt3A_462 : vector<16xi32>
      %add3A_464 = arith.constant 16 : i32
      %add3A_465 = vector.broadcast %add3A_464 : i32 to vector<16xi32>
      %add3A_466 = arith.addi %broadcast_in_dim3A_42, %add3A_465 : vector<16xi32>
      %select_n3A_467 = arith.select %lt3A_463, %add3A_466, %broadcast_in_dim3A_42 : vector<16xi1>, vector<16xi32>
      %broadcast_in_dim3A_468 = vector.shape_cast %select_n3A_467 : vector<16xi32> to vector<16x1xi32>
      %gather3A_469 = vector.shape_cast %broadcast_in_dim3A_468 : vector<16x1xi32> to vector<16xi32>
      %gather3A_470 = tpu.dynamic_gather %get3A_460[%gather3A_469] in [0] : vector<16xi32>, vector<16xi32> -> vector<16xi32>
      %shift_right_arithmetic3A_471 = arith.constant 6 : i32
      %shift_right_arithmetic3A_472 = vector.broadcast %shift_right_arithmetic3A_471 : i32 to vector<16xi32>
      %shift_right_arithmetic3A_473 = arith.shrsi %gather3A_470, %shift_right_arithmetic3A_472 : vector<16xi32>
      %slice3A_474 = vector.extract_strided_slice %shift_right_arithmetic3A_473 {offsets = [0], sizes = [1], strides = [1]} : vector<16xi32> to vector<1xi32>
      %squeeze3A_475 = vector.extract %slice3A_474[0] : i32 from vector<1xi32>
      %mul3A_476 = arith.constant 17 : i32
      %mul3A_477 = arith.muli %squeeze3A_475, %mul3A_476 : i32
      %get3A_478 = arith.index_cast %mul3A_477 : i32 to index
      %get3A_479 = tpu.vector_load %arg7[%get3A_478] {strides = array<i32>} : memref<8704xi32, #tpu.memory_space<vmem>>, vector<16xi32>,
      %add3A_480 = arith.constant 1 : i32
      %add3A_481 = arith.addi %add3A_57, %add3A_480 : i32
      %broadcast_in_dim3A_482 = vector.broadcast %add3A_481 : i32 to vector<16xi32>
      tpu.vector_store_idx %arg8[%get3A_74], %broadcast_in_dim3A_482 : memref<32768xi32, #tpu.memory_space<vmem>>[vector<16xi32>], vector<16xi32>,
      %gather3A_483 = tpu.vector_load_idx %arg8[%get3A_60] : memref<32768xi32, #tpu.memory_space<vmem>>[vector<16xi32>], vector<16xi32>,
      %eq3A = arith.cmpi eq, %gather3A_483, %broadcast_in_dim3A_482 : vector<16xi32>
      %jit3A_484 = arith.constant 1.000000e+00 : f32
      %jit3A_485 = arith.constant 0.000000e+00 : f32
      %broadcast_in_dim3A_486 = vector.broadcast %jit3A_484 : f32 to vector<16xf32>
      %broadcast_in_dim3A_487 = vector.broadcast %jit3A_485 : f32 to vector<16xf32>
      %select_n3A_488 = arith.select %eq3A, %broadcast_in_dim3A_486, %broadcast_in_dim3A_487 : vector<16xi1>, vector<16xf32>
      %mul3A_489 = arith.mulf %select_n3A_488, %select_n3A_41 : vector<16xf32>
      %broadcast_in_dim3A_490 = vector.broadcast %add3A_57 : i32 to vector<16xi32>
      tpu.vector_store_idx %arg9[%iota3A, %broadcast_in_dim3A_490], %mul3A_489 : memref<16x520xf32, #tpu.memory_space<vmem>>[vector<16xi32>, vector<16xi32>], vector<16xf32>,
      %add3A_491 = arith.constant 1 : i32
      %add3A_492 = arith.addi %add3A_78, %add3A_491 : i32
      %broadcast_in_dim3A_493 = vector.broadcast %add3A_492 : i32 to vector<16xi32>
      tpu.vector_store_idx %arg8[%get3A_101], %broadcast_in_dim3A_493 : memref<32768xi32, #tpu.memory_space<vmem>>[vector<16xi32>], vector<16xi32>,
      %gather3A_494 = tpu.vector_load_idx %arg8[%get3A_82] : memref<32768xi32, #tpu.memory_space<vmem>>[vector<16xi32>], vector<16xi32>,
      %eq3A_495 = arith.cmpi eq, %gather3A_494, %broadcast_in_dim3A_493 : vector<16xi32>
      %jit3A_496 = arith.constant 1.000000e+00 : f32
      %jit3A_497 = arith.constant 0.000000e+00 : f32
      %broadcast_in_dim3A_498 = vector.broadcast %jit3A_496 : f32 to vector<16xf32>
      %broadcast_in_dim3A_499 = vector.broadcast %jit3A_497 : f32 to vector<16xf32>
      %select_n3A_500 = arith.select %eq3A_495, %broadcast_in_dim3A_498, %broadcast_in_dim3A_499 : vector<16xi1>, vector<16xf32>
      %mul3A_501 = arith.mulf %select_n3A_500, %select_n3A_41 : vector<16xf32>
      %broadcast_in_dim3A_502 = vector.broadcast %add3A_78 : i32 to vector<16xi32>
      tpu.vector_store_idx %arg9[%iota3A, %broadcast_in_dim3A_502], %mul3A_501 : memref<16x520xf32, #tpu.memory_space<vmem>>[vector<16xi32>, vector<16xi32>], vector<16xf32>,
      %add3A_503 = arith.constant 1 : i32
      %add3A_504 = arith.addi %add3A_105, %add3A_503 : i32
      %broadcast_in_dim3A_505 = vector.broadcast %add3A_504 : i32 to vector<16xi32>
      tpu.vector_store_idx %arg8[%get3A_128], %broadcast_in_dim3A_505 : memref<32768xi32, #tpu.memory_space<vmem>>[vector<16xi32>], vector<16xi32>,
      %gather3A_506 = tpu.vector_load_idx %arg8[%get3A_109] : memref<32768xi32, #tpu.memory_space<vmem>>[vector<16xi32>], vector<16xi32>,
      %eq3A_507 = arith.cmpi eq, %gather3A_506, %broadcast_in_dim3A_505 : vector<16xi32>
      %jit3A_508 = arith.constant 1.000000e+00 : f32
      %jit3A_509 = arith.constant 0.000000e+00 : f32
      %broadcast_in_dim3A_510 = vector.broadcast %jit3A_508 : f32 to vector<16xf32>
      %broadcast_in_dim3A_511 = vector.broadcast %jit3A_509 : f32 to vector<16xf32>
      %select_n3A_512 = arith.select %eq3A_507, %broadcast_in_dim3A_510, %broadcast_in_dim3A_511 : vector<16xi1>, vector<16xf32>
      %mul3A_513 = arith.mulf %select_n3A_512, %select_n3A_41 : vector<16xf32>
      %broadcast_in_dim3A_514 = vector.broadcast %add3A_105 : i32 to vector<16xi32>
      tpu.vector_store_idx %arg9[%iota3A, %broadcast_in_dim3A_514], %mul3A_513 : memref<16x520xf32, #tpu.memory_space<vmem>>[vector<16xi32>, vector<16xi32>], vector<16xf32>,
      %add3A_515 = arith.constant 1 : i32
      %add3A_516 = arith.addi %add3A_132, %add3A_515 : i32
      %broadcast_in_dim3A_517 = vector.broadcast %add3A_516 : i32 to vector<16xi32>
      tpu.vector_store_idx %arg8[%get3A_155], %broadcast_in_dim3A_517 : memref<32768xi32, #tpu.memory_space<vmem>>[vector<16xi32>], vector<16xi32>,
      %gather3A_518 = tpu.vector_load_idx %arg8[%get3A_136] : memref<32768xi32, #tpu.memory_space<vmem>>[vector<16xi32>], vector<16xi32>,
      %eq3A_519 = arith.cmpi eq, %gather3A_518, %broadcast_in_dim3A_517 : vector<16xi32>
      %jit3A_520 = arith.constant 1.000000e+00 : f32
      %jit3A_521 = arith.constant 0.000000e+00 : f32
      %broadcast_in_dim3A_522 = vector.broadcast %jit3A_520 : f32 to vector<16xf32>
      %broadcast_in_dim3A_523 = vector.broadcast %jit3A_521 : f32 to vector<16xf32>
      %select_n3A_524 = arith.select %eq3A_519, %broadcast_in_dim3A_522, %broadcast_in_dim3A_523 : vector<16xi1>, vector<16xf32>
      %mul3A_525 = arith.mulf %select_n3A_524, %select_n3A_41 : vector<16xf32>
      %broadcast_in_dim3A_526 = vector.broadcast %add3A_132 : i32 to vector<16xi32>
      tpu.vector_store_idx %arg9[%iota3A, %broadcast_in_dim3A_526], %mul3A_525 : memref<16x520xf32, #tpu.memory_space<vmem>>[vector<16xi32>, vector<16xi32>], vector<16xf32>,
      %add3A_527 = arith.constant 1 : i32
      %add3A_528 = arith.addi %add3A_159, %add3A_527 : i32
      %broadcast_in_dim3A_529 = vector.broadcast %add3A_528 : i32 to vector<16xi32>
      tpu.vector_store_idx %arg8[%get3A_182], %broadcast_in_dim3A_529 : memref<32768xi32, #tpu.memory_space<vmem>>[vector<16xi32>], vector<16xi32>,
      %gather3A_530 = tpu.vector_load_idx %arg8[%get3A_163] : memref<32768xi32, #tpu.memory_space<vmem>>[vector<16xi32>], vector<16xi32>,
      %eq3A_531 = arith.cmpi eq, %gather3A_530, %broadcast_in_dim3A_529 : vector<16xi32>
      %jit3A_532 = arith.constant 1.000000e+00 : f32
      %jit3A_533 = arith.constant 0.000000e+00 : f32
      %broadcast_in_dim3A_534 = vector.broadcast %jit3A_532 : f32 to vector<16xf32>
      %broadcast_in_dim3A_535 = vector.broadcast %jit3A_533 : f32 to vector<16xf32>
      %select_n3A_536 = arith.select %eq3A_531, %broadcast_in_dim3A_534, %broadcast_in_dim3A_535 : vector<16xi1>, vector<16xf32>
      %mul3A_537 = arith.mulf %select_n3A_536, %select_n3A_41 : vector<16xf32>
      %broadcast_in_dim3A_538 = vector.broadcast %add3A_159 : i32 to vector<16xi32>
      tpu.vector_store_idx %arg9[%iota3A, %broadcast_in_dim3A_538], %mul3A_537 : memref<16x520xf32, #tpu.memory_space<vmem>>[vector<16xi32>, vector<16xi32>], vector<16xf32>,
      %add3A_539 = arith.constant 1 : i32
      %add3A_540 = arith.addi %add3A_186, %add3A_539 : i32
      %broadcast_in_dim3A_541 = vector.broadcast %add3A_540 : i32 to vector<16xi32>
      tpu.vector_store_idx %arg8[%get3A_209], %broadcast_in_dim3A_541 : memref<32768xi32, #tpu.memory_space<vmem>>[vector<16xi32>], vector<16xi32>,
      %gather3A_542 = tpu.vector_load_idx %arg8[%get3A_190] : memref<32768xi32, #tpu.memory_space<vmem>>[vector<16xi32>], vector<16xi32>,
      %eq3A_543 = arith.cmpi eq, %gather3A_542, %broadcast_in_dim3A_541 : vector<16xi32>
      %jit3A_544 = arith.constant 1.000000e+00 : f32
      %jit3A_545 = arith.constant 0.000000e+00 : f32
      %broadcast_in_dim3A_546 = vector.broadcast %jit3A_544 : f32 to vector<16xf32>
      %broadcast_in_dim3A_547 = vector.broadcast %jit3A_545 : f32 to vector<16xf32>
      %select_n3A_548 = arith.select %eq3A_543, %broadcast_in_dim3A_546, %broadcast_in_dim3A_547 : vector<16xi1>, vector<16xf32>
      %mul3A_549 = arith.mulf %select_n3A_548, %select_n3A_41 : vector<16xf32>
      %broadcast_in_dim3A_550 = vector.broadcast %add3A_186 : i32 to vector<16xi32>
      tpu.vector_store_idx %arg9[%iota3A, %broadcast_in_dim3A_550], %mul3A_549 : memref<16x520xf32, #tpu.memory_space<vmem>>[vector<16xi32>, vector<16xi32>], vector<16xf32>,
      %add3A_551 = arith.constant 1 : i32
      %add3A_552 = arith.addi %add3A_213, %add3A_551 : i32
      %broadcast_in_dim3A_553 = vector.broadcast %add3A_552 : i32 to vector<16xi32>
      tpu.vector_store_idx %arg8[%get3A_236], %broadcast_in_dim3A_553 : memref<32768xi32, #tpu.memory_space<vmem>>[vector<16xi32>], vector<16xi32>,
      %gather3A_554 = tpu.vector_load_idx %arg8[%get3A_217] : memref<32768xi32, #tpu.memory_space<vmem>>[vector<16xi32>], vector<16xi32>,
      %eq3A_555 = arith.cmpi eq, %gather3A_554, %broadcast_in_dim3A_553 : vector<16xi32>
      %jit3A_556 = arith.constant 1.000000e+00 : f32
      %jit3A_557 = arith.constant 0.000000e+00 : f32
      %broadcast_in_dim3A_558 = vector.broadcast %jit3A_556 : f32 to vector<16xf32>
      %broadcast_in_dim3A_559 = vector.broadcast %jit3A_557 : f32 to vector<16xf32>
      %select_n3A_560 = arith.select %eq3A_555, %broadcast_in_dim3A_558, %broadcast_in_dim3A_559 : vector<16xi1>, vector<16xf32>
      %mul3A_561 = arith.mulf %select_n3A_560, %select_n3A_41 : vector<16xf32>
      %broadcast_in_dim3A_562 = vector.broadcast %add3A_213 : i32 to vector<16xi32>
      tpu.vector_store_idx %arg9[%iota3A, %broadcast_in_dim3A_562], %mul3A_561 : memref<16x520xf32, #tpu.memory_space<vmem>>[vector<16xi32>, vector<16xi32>], vector<16xf32>,
      %add3A_563 = arith.constant 1 : i32
      %add3A_564 = arith.addi %add3A_240, %add3A_563 : i32
      %broadcast_in_dim3A_565 = vector.broadcast %add3A_564 : i32 to vector<16xi32>
      tpu.vector_store_idx %arg8[%get3A_263], %broadcast_in_dim3A_565 : memref<32768xi32, #tpu.memory_space<vmem>>[vector<16xi32>], vector<16xi32>,
      %gather3A_566 = tpu.vector_load_idx %arg8[%get3A_244] : memref<32768xi32, #tpu.memory_space<vmem>>[vector<16xi32>], vector<16xi32>,
      %eq3A_567 = arith.cmpi eq, %gather3A_566, %broadcast_in_dim3A_565 : vector<16xi32>
      %jit3A_568 = arith.constant 1.000000e+00 : f32
      %jit3A_569 = arith.constant 0.000000e+00 : f32
      %broadcast_in_dim3A_570 = vector.broadcast %jit3A_568 : f32 to vector<16xf32>
      %broadcast_in_dim3A_571 = vector.broadcast %jit3A_569 : f32 to vector<16xf32>
      %select_n3A_572 = arith.select %eq3A_567, %broadcast_in_dim3A_570, %broadcast_in_dim3A_571 : vector<16xi1>, vector<16xf32>
      %mul3A_573 = arith.mulf %select_n3A_572, %select_n3A_41 : vector<16xf32>
      %broadcast_in_dim3A_574 = vector.broadcast %add3A_240 : i32 to vector<16xi32>
      tpu.vector_store_idx %arg9[%iota3A, %broadcast_in_dim3A_574], %mul3A_573 : memref<16x520xf32, #tpu.memory_space<vmem>>[vector<16xi32>, vector<16xi32>], vector<16xf32>,
      %add3A_575 = arith.constant 1 : i32
      %add3A_576 = arith.addi %add3A_267, %add3A_575 : i32
      %broadcast_in_dim3A_577 = vector.broadcast %add3A_576 : i32 to vector<16xi32>
      tpu.vector_store_idx %arg8[%get3A_290], %broadcast_in_dim3A_577 : memref<32768xi32, #tpu.memory_space<vmem>>[vector<16xi32>], vector<16xi32>,
      %gather3A_578 = tpu.vector_load_idx %arg8[%get3A_271] : memref<32768xi32, #tpu.memory_space<vmem>>[vector<16xi32>], vector<16xi32>,
      %eq3A_579 = arith.cmpi eq, %gather3A_578, %broadcast_in_dim3A_577 : vector<16xi32>
      %jit3A_580 = arith.constant 1.000000e+00 : f32
      %jit3A_581 = arith.constant 0.000000e+00 : f32
      %broadcast_in_dim3A_582 = vector.broadcast %jit3A_580 : f32 to vector<16xf32>
      %broadcast_in_dim3A_583 = vector.broadcast %jit3A_581 : f32 to vector<16xf32>
      %select_n3A_584 = arith.select %eq3A_579, %broadcast_in_dim3A_582, %broadcast_in_dim3A_583 : vector<16xi1>, vector<16xf32>
      %mul3A_585 = arith.mulf %select_n3A_584, %select_n3A_41 : vector<16xf32>
      %broadcast_in_dim3A_586 = vector.broadcast %add3A_267 : i32 to vector<16xi32>
      tpu.vector_store_idx %arg9[%iota3A, %broadcast_in_dim3A_586], %mul3A_585 : memref<16x520xf32, #tpu.memory_space<vmem>>[vector<16xi32>, vector<16xi32>], vector<16xf32>,
      %add3A_587 = arith.constant 1 : i32
      %add3A_588 = arith.addi %add3A_294, %add3A_587 : i32
      %broadcast_in_dim3A_589 = vector.broadcast %add3A_588 : i32 to vector<16xi32>
      tpu.vector_store_idx %arg8[%get3A_317], %broadcast_in_dim3A_589 : memref<32768xi32, #tpu.memory_space<vmem>>[vector<16xi32>], vector<16xi32>,
      %gather3A_590 = tpu.vector_load_idx %arg8[%get3A_298] : memref<32768xi32, #tpu.memory_space<vmem>>[vector<16xi32>], vector<16xi32>,
      %eq3A_591 = arith.cmpi eq, %gather3A_590, %broadcast_in_dim3A_589 : vector<16xi32>
      %jit3A_592 = arith.constant 1.000000e+00 : f32
      %jit3A_593 = arith.constant 0.000000e+00 : f32
      %broadcast_in_dim3A_594 = vector.broadcast %jit3A_592 : f32 to vector<16xf32>
      %broadcast_in_dim3A_595 = vector.broadcast %jit3A_593 : f32 to vector<16xf32>
      %select_n3A_596 = arith.select %eq3A_591, %broadcast_in_dim3A_594, %broadcast_in_dim3A_595 : vector<16xi1>, vector<16xf32>
      %mul3A_597 = arith.mulf %select_n3A_596, %select_n3A_41 : vector<16xf32>
      %broadcast_in_dim3A_598 = vector.broadcast %add3A_294 : i32 to vector<16xi32>
      tpu.vector_store_idx %arg9[%iota3A, %broadcast_in_dim3A_598], %mul3A_597 : memref<16x520xf32, #tpu.memory_space<vmem>>[vector<16xi32>, vector<16xi32>], vector<16xf32>,
      %add3A_599 = arith.constant 1 : i32
      %add3A_600 = arith.addi %add3A_321, %add3A_599 : i32
      %broadcast_in_dim3A_601 = vector.broadcast %add3A_600 : i32 to vector<16xi32>
      tpu.vector_store_idx %arg8[%get3A_344], %broadcast_in_dim3A_601 : memref<32768xi32, #tpu.memory_space<vmem>>[vector<16xi32>], vector<16xi32>,
      %gather3A_602 = tpu.vector_load_idx %arg8[%get3A_325] : memref<32768xi32, #tpu.memory_space<vmem>>[vector<16xi32>], vector<16xi32>,
      %eq3A_603 = arith.cmpi eq, %gather3A_602, %broadcast_in_dim3A_601 : vector<16xi32>
      %jit3A_604 = arith.constant 1.000000e+00 : f32
      %jit3A_605 = arith.constant 0.000000e+00 : f32
      %broadcast_in_dim3A_606 = vector.broadcast %jit3A_604 : f32 to vector<16xf32>
      %broadcast_in_dim3A_607 = vector.broadcast %jit3A_605 : f32 to vector<16xf32>
      %select_n3A_608 = arith.select %eq3A_603, %broadcast_in_dim3A_606, %broadcast_in_dim3A_607 : vector<16xi1>, vector<16xf32>
      %mul3A_609 = arith.mulf %select_n3A_608, %select_n3A_41 : vector<16xf32>
      %broadcast_in_dim3A_610 = vector.broadcast %add3A_321 : i32 to vector<16xi32>
      tpu.vector_store_idx %arg9[%iota3A, %broadcast_in_dim3A_610], %mul3A_609 : memref<16x520xf32, #tpu.memory_space<vmem>>[vector<16xi32>, vector<16xi32>], vector<16xf32>,
      %add3A_611 = arith.constant 1 : i32
      %add3A_612 = arith.addi %add3A_348, %add3A_611 : i32
      %broadcast_in_dim3A_613 = vector.broadcast %add3A_612 : i32 to vector<16xi32>
      tpu.vector_store_idx %arg8[%get3A_371], %broadcast_in_dim3A_613 : memref<32768xi32, #tpu.memory_space<vmem>>[vector<16xi32>], vector<16xi32>,
      %gather3A_614 = tpu.vector_load_idx %arg8[%get3A_352] : memref<32768xi32, #tpu.memory_space<vmem>>[vector<16xi32>], vector<16xi32>,
      %eq3A_615 = arith.cmpi eq, %gather3A_614, %broadcast_in_dim3A_613 : vector<16xi32>
      %jit3A_616 = arith.constant 1.000000e+00 : f32
      %jit3A_617 = arith.constant 0.000000e+00 : f32
      %broadcast_in_dim3A_618 = vector.broadcast %jit3A_616 : f32 to vector<16xf32>
      %broadcast_in_dim3A_619 = vector.broadcast %jit3A_617 : f32 to vector<16xf32>
      %select_n3A_620 = arith.select %eq3A_615, %broadcast_in_dim3A_618, %broadcast_in_dim3A_619 : vector<16xi1>, vector<16xf32>
      %mul3A_621 = arith.mulf %select_n3A_620, %select_n3A_41 : vector<16xf32>
      %broadcast_in_dim3A_622 = vector.broadcast %add3A_348 : i32 to vector<16xi32>
      tpu.vector_store_idx %arg9[%iota3A, %broadcast_in_dim3A_622], %mul3A_621 : memref<16x520xf32, #tpu.memory_space<vmem>>[vector<16xi32>, vector<16xi32>], vector<16xf32>,
      %add3A_623 = arith.constant 1 : i32
      %add3A_624 = arith.addi %add3A_375, %add3A_623 : i32
      %broadcast_in_dim3A_625 = vector.broadcast %add3A_624 : i32 to vector<16xi32>
      tpu.vector_store_idx %arg8[%get3A_398], %broadcast_in_dim3A_625 : memref<32768xi32, #tpu.memory_space<vmem>>[vector<16xi32>], vector<16xi32>,
      %gather3A_626 = tpu.vector_load_idx %arg8[%get3A_379] : memref<32768xi32, #tpu.memory_space<vmem>>[vector<16xi32>], vector<16xi32>,
      %eq3A_627 = arith.cmpi eq, %gather3A_626, %broadcast_in_dim3A_625 : vector<16xi32>
      %jit3A_628 = arith.constant 1.000000e+00 : f32
      %jit3A_629 = arith.constant 0.000000e+00 : f32
      %broadcast_in_dim3A_630 = vector.broadcast %jit3A_628 : f32 to vector<16xf32>
      %broadcast_in_dim3A_631 = vector.broadcast %jit3A_629 : f32 to vector<16xf32>
      %select_n3A_632 = arith.select %eq3A_627, %broadcast_in_dim3A_630, %broadcast_in_dim3A_631 : vector<16xi1>, vector<16xf32>
      %mul3A_633 = arith.mulf %select_n3A_632, %select_n3A_41 : vector<16xf32>
      %broadcast_in_dim3A_634 = vector.broadcast %add3A_375 : i32 to vector<16xi32>
      tpu.vector_store_idx %arg9[%iota3A, %broadcast_in_dim3A_634], %mul3A_633 : memref<16x520xf32, #tpu.memory_space<vmem>>[vector<16xi32>, vector<16xi32>], vector<16xf32>,
      %add3A_635 = arith.constant 1 : i32
      %add3A_636 = arith.addi %add3A_402, %add3A_635 : i32
      %broadcast_in_dim3A_637 = vector.broadcast %add3A_636 : i32 to vector<16xi32>
      tpu.vector_store_idx %arg8[%get3A_425], %broadcast_in_dim3A_637 : memref<32768xi32, #tpu.memory_space<vmem>>[vector<16xi32>], vector<16xi32>,
      %gather3A_638 = tpu.vector_load_idx %arg8[%get3A_406] : memref<32768xi32, #tpu.memory_space<vmem>>[vector<16xi32>], vector<16xi32>,
      %eq3A_639 = arith.cmpi eq, %gather3A_638, %broadcast_in_dim3A_637 : vector<16xi32>
      %jit3A_640 = arith.constant 1.000000e+00 : f32
      %jit3A_641 = arith.constant 0.000000e+00 : f32
      %broadcast_in_dim3A_642 = vector.broadcast %jit3A_640 : f32 to vector<16xf32>
      %broadcast_in_dim3A_643 = vector.broadcast %jit3A_641 : f32 to vector<16xf32>
      %select_n3A_644 = arith.select %eq3A_639, %broadcast_in_dim3A_642, %broadcast_in_dim3A_643 : vector<16xi1>, vector<16xf32>
      %mul3A_645 = arith.mulf %select_n3A_644, %select_n3A_41 : vector<16xf32>
      %broadcast_in_dim3A_646 = vector.broadcast %add3A_402 : i32 to vector<16xi32>
      tpu.vector_store_idx %arg9[%iota3A, %broadcast_in_dim3A_646], %mul3A_645 : memref<16x520xf32, #tpu.memory_space<vmem>>[vector<16xi32>, vector<16xi32>], vector<16xf32>,
      %add3A_647 = arith.constant 1 : i32
      %add3A_648 = arith.addi %add3A_429, %add3A_647 : i32
      %broadcast_in_dim3A_649 = vector.broadcast %add3A_648 : i32 to vector<16xi32>
      tpu.vector_store_idx %arg8[%get3A_452], %broadcast_in_dim3A_649 : memref<32768xi32, #tpu.memory_space<vmem>>[vector<16xi32>], vector<16xi32>,
      %gather3A_650 = tpu.vector_load_idx %arg8[%get3A_433] : memref<32768xi32, #tpu.memory_space<vmem>>[vector<16xi32>], vector<16xi32>,
      %eq3A_651 = arith.cmpi eq, %gather3A_650, %broadcast_in_dim3A_649 : vector<16xi32>
      %jit3A_652 = arith.constant 1.000000e+00 : f32
      %jit3A_653 = arith.constant 0.000000e+00 : f32
      %broadcast_in_dim3A_654 = vector.broadcast %jit3A_652 : f32 to vector<16xf32>
      %broadcast_in_dim3A_655 = vector.broadcast %jit3A_653 : f32 to vector<16xf32>
      %select_n3A_656 = arith.select %eq3A_651, %broadcast_in_dim3A_654, %broadcast_in_dim3A_655 : vector<16xi1>, vector<16xf32>
      %mul3A_657 = arith.mulf %select_n3A_656, %select_n3A_41 : vector<16xf32>
      %broadcast_in_dim3A_658 = vector.broadcast %add3A_429 : i32 to vector<16xi32>
      tpu.vector_store_idx %arg9[%iota3A, %broadcast_in_dim3A_658], %mul3A_657 : memref<16x520xf32, #tpu.memory_space<vmem>>[vector<16xi32>, vector<16xi32>], vector<16xf32>,
      %add3A_659 = arith.constant 1 : i32
      %add3A_660 = arith.addi %add3A_456, %add3A_659 : i32
      %broadcast_in_dim3A_661 = vector.broadcast %add3A_660 : i32 to vector<16xi32>
      tpu.vector_store_idx %arg8[%get3A_479], %broadcast_in_dim3A_661 : memref<32768xi32, #tpu.memory_space<vmem>>[vector<16xi32>], vector<16xi32>,
      %gather3A_662 = tpu.vector_load_idx %arg8[%get3A_460] : memref<32768xi32, #tpu.memory_space<vmem>>[vector<16xi32>], vector<16xi32>,
      %eq3A_663 = arith.cmpi eq, %gather3A_662, %broadcast_in_dim3A_661 : vector<16xi32>
      %jit3A_664 = arith.constant 1.000000e+00 : f32
      %jit3A_665 = arith.constant 0.000000e+00 : f32
      %broadcast_in_dim3A_666 = vector.broadcast %jit3A_664 : f32 to vector<16xf32>
      %broadcast_in_dim3A_667 = vector.broadcast %jit3A_665 : f32 to vector<16xf32>
      %select_n3A_668 = arith.select %eq3A_663, %broadcast_in_dim3A_666, %broadcast_in_dim3A_667 : vector<16xi1>, vector<16xf32>
      %mul3A_669 = arith.mulf %select_n3A_668, %select_n3A_41 : vector<16xf32>
      %broadcast_in_dim3A_670 = vector.broadcast %add3A_456 : i32 to vector<16xi32>
      tpu.vector_store_idx %arg9[%iota3A, %broadcast_in_dim3A_670], %mul3A_669 : memref<16x520xf32, #tpu.memory_space<vmem>>[vector<16xi32>, vector<16xi32>], vector<16xf32>,
    }
    %scan3A_48 = arith.constant 32 : i32
    %mul3A_49 = arith.constant 16 : i32
    %mul3A_50 = arith.muli %sub3A_34, %mul3A_49 : i32
    %mul3A_51 = arith.constant 512 : i32
    %mul3A_52 = arith.muli %select_n3A, %mul3A_51 : i32
    "tpu.region"() ({
      %run_scoped3A = tpu.sem_alloc : memref<!tpu.dma_semaphore, #tpu.memory_space<semaphore_mem>>
      %dma_start3A = arith.constant 0 : i32
      %dma_start3A_53 = arith.constant 0 : i32
      %dma_start3A_54 = tpu.memref_slice %arg9[%dma_start3A, %dma_start3A_53] : memref<16x520xf32, #tpu.memory_space<vmem>> -> memref<16x512xf32, #tpu.memory_space<vmem>>
      %dma_start3A_55 = tpu.memref_slice %arg4[%mul3A_50, %mul3A_52] : memref<256x1024xf32, #tpu.memory_space<hbm>> -> memref<16x512xf32, #tpu.memory_space<hbm>>
      %dma_start3A_56 = tpu.memref_slice %arg4[%mul3A_50, %mul3A_52] : memref<256x1024xf32, #tpu.memory_space<hbm>> -> memref<16x512xf32, #tpu.memory_space<hbm>>
      %dma_start3A_57 = arith.constant 0 : i32
      %dma_start3A_58 = arith.constant 0 : i32
      %dma_start3A_59 = tpu.memref_slice %arg9[%dma_start3A_57, %dma_start3A_58] : memref<16x520xf32, #tpu.memory_space<vmem>> -> memref<16x512xf32, #tpu.memory_space<vmem>>
      tpu.enqueue_dma source(%dma_start3A_59 : memref<16x512xf32, #tpu.memory_space<vmem>>) target(%dma_start3A_56 : memref<16x512xf32, #tpu.memory_space<hbm>>) target_semaphore(%run_scoped3A : memref<!tpu.dma_semaphore, #tpu.memory_space<semaphore_mem>>)
      %dma_wait3A = arith.constant 0 : i32
      %dma_wait3A_60 = arith.constant 0 : i32
      %dma_wait3A_61 = tpu.memref_slice %arg9[%dma_wait3A, %dma_wait3A_60] : memref<16x520xf32, #tpu.memory_space<vmem>> -> memref<16x512xf32, #tpu.memory_space<vmem>>
      %dma_wait3A_62 = tpu.memref_slice %arg4[%mul3A_50, %mul3A_52] : memref<256x1024xf32, #tpu.memory_space<hbm>> -> memref<16x512xf32, #tpu.memory_space<hbm>>
      %dma_wait3A_63 = tpu.memref_slice %arg4[%mul3A_50, %mul3A_52] : memref<256x1024xf32, #tpu.memory_space<hbm>> -> memref<16x512xf32, #tpu.memory_space<hbm>>
      %dma_wait3A_64 = arith.constant 0 : i32
      %dma_wait3A_65 = arith.constant 0 : i32
      %dma_wait3A_66 = tpu.memref_slice %arg9[%dma_wait3A_64, %dma_wait3A_65] : memref<16x520xf32, #tpu.memory_space<vmem>> -> memref<16x512xf32, #tpu.memory_space<vmem>>
      tpu.wait_dma2 semaphore(%run_scoped3A : memref<!tpu.dma_semaphore, #tpu.memory_space<semaphore_mem>>) src(%dma_wait3A_66 : memref<16x512xf32, #tpu.memory_space<vmem>>) dst(%dma_wait3A_63 : memref<16x512xf32, #tpu.memory_space<hbm>>)
      tpu.yield
    }) : () -> ()
    return
  }
}

module attributes {stable_mosaic.version = 14 : i64} {
  func.func @_tc_expand_body(%arg0: i32, %arg1: i32, %arg2: memref<64x512xf32, #tpu.memory_space<vmem>>, %arg3: memref<1x16x64x512xf32, #tpu.memory_space<vmem>>, %arg4: memref<1x4x16x64x512xf32, #tpu.memory_space<vmem>>) attributes {dimension_semantics = [#tpu.dimension_semantics<arbitrary>, #tpu.dimension_semantics<arbitrary>], iteration_bounds = array<i64: 2, 4>, scalar_prefetch = 0 : i64, scratch_operands = 0 : i64, tpu.core_type = #tpu.core_type<tc>, window_params = [{transform_indices = @transform_0, window_bounds = array<i64: 64, 512>}, {transform_indices = @transform_1, window_bounds = array<i64: 1, 16, 64, 512>}, {transform_indices = @transform_2, window_bounds = array<i64: 1, 4, 16, 64, 512>}]} {
    %get3A = arith.constant 0 : index
    %get3A_0 = arith.constant 0 : index
    %get3A_1 = vector.load %arg2[%get3A, %get3A_0] : memref<64x512xf32, #tpu.memory_space<vmem>>, vector<64x512xf32>
    %reshape3A = vector.shape_cast %get3A_1 : vector<64x512xf32> to vector<4x16x512xf32>
    %get3A_2 = arith.constant 0 : index
    %get3A_3 = arith.constant 0 : index
    %get3A_4 = arith.constant 0 : index
    %get3A_5 = arith.constant 0 : index
    %get3A_6 = vector.load %arg3[%get3A_2, %get3A_3, %get3A_4, %get3A_5] : memref<1x16x64x512xf32, #tpu.memory_space<vmem>>, vector<1x16x64x512xf32>
    %get3A_7 = vector.shape_cast %get3A_6 : vector<1x16x64x512xf32> to vector<16x64x512xf32>
    %broadcast_in_dim3A = vector.shape_cast %reshape3A : vector<4x16x512xf32> to vector<4x16x1x512xf32>
    %broadcast_in_dim3A_8 = vector.shape_cast %get3A_7 : vector<16x64x512xf32> to vector<1x16x64x512xf32>
    %mul3A = vector.broadcast %broadcast_in_dim3A : vector<4x16x1x512xf32> to vector<4x16x64x512xf32>
    %mul3A_9 = vector.broadcast %broadcast_in_dim3A_8 : vector<1x16x64x512xf32> to vector<4x16x64x512xf32>
    %mul3A_10 = arith.mulf %mul3A, %mul3A_9 : vector<4x16x64x512xf32>
    %swap3A = arith.constant 0 : index
    %swap3A_11 = arith.constant 0 : index
    %swap3A_12 = arith.constant 0 : index
    %swap3A_13 = arith.constant 0 : index
    %swap3A_14 = arith.constant 0 : index
    %swap3A_15 = vector.load %arg4[%swap3A, %swap3A_11, %swap3A_12, %swap3A_13, %swap3A_14] : memref<1x4x16x64x512xf32, #tpu.memory_space<vmem>>, vector<1x4x16x64x512xf32>
    %swap3A_16 = vector.shape_cast %swap3A_15 : vector<1x4x16x64x512xf32> to vector<4x16x64x512xf32>
    %swap3A_17 = vector.shape_cast %mul3A_10 : vector<4x16x64x512xf32> to vector<1x4x16x64x512xf32>
    tpu.vector_store %arg4[%swap3A, %swap3A_11, %swap3A_12, %swap3A_13, %swap3A_14], %swap3A_17 {strides = array<i32>} : memref<1x4x16x64x512xf32, #tpu.memory_space<vmem>>, vector<1x4x16x64x512xf32>,
    return
  }
  func.func @transform_0(%arg0: i32, %arg1: i32) -> (i32, i32) {
    %c0_i32 = arith.constant 0 : i32
    return %arg1, %arg0 : i32, i32
  }
  func.func @transform_1(%arg0: i32, %arg1: i32) -> (i32, i32, i32, i32) {
    %c0_i32 = arith.constant 0 : i32
    %c0_i32_0 = arith.constant 0 : i32
    %c0_i32_1 = arith.constant 0 : i32
    %c0_i32_2 = arith.constant 0 : i32
    return %arg0, %c0_i32, %c0_i32_0, %c0_i32_1 : i32, i32, i32, i32
  }
  func.func @transform_2(%arg0: i32, %arg1: i32) -> (i32, i32, i32, i32, i32) {
    %c0_i32 = arith.constant 0 : i32
    %c0_i32_0 = arith.constant 0 : i32
    %c0_i32_1 = arith.constant 0 : i32
    %c0_i32_2 = arith.constant 0 : i32
    return %arg0, %arg1, %c0_i32, %c0_i32_0, %c0_i32_1 : i32, i32, i32, i32, i32
  }
}

</mosaic_0001>

<sc_bundles>
// kernel: kernel.4.cloned.1.call-start
scs
__scs_entry_jumppad:
0x0: {  	(pc) =	sbr.rel $0x88, $3  }
0x1: {  	(tag) =	ssettag $0x0;
	lr =	simm.s32 $0x1  }
0x2: {  	[smem:$0x3F9E] =	sst lr;
	_ =	strace $0xD0000000  }
0x3: {  	_ = 	snop  }
0x4: {  	_ = 	snop  }
0x5: {  	_ = 	snop  }
0x6: {  	_ = 	snop  }
0x7: {  	_ = 	snop  }
__scs_overlays_trampoline_lowered:
0x8: {  	[smem:$0x3FAD] =	sst s0  }
0x9: {  	[smem:$0x3FAE] =	sst s1  }
0xa: {  	[smem:$0x3FAF] =	sst s2  }
0xb: {  	[smem:$0x3FB0] =	sst s3  }
0xc: {  	[smem:$0x3FB1] =	sst s4  }
0xd: {  	[smem:$0x3FB2] =	sst s5  }
0xe: {  	[smem:$0x3FB3] =	sst s6  }
0xf: {  	[smem:$0x3FB4] =	sst s7  }
0x10: {  	[smem:$0x3FB5] =	sst s8  }
0x11: {  	[smem:$0x3FB6] =	sst s9;
	s0 =	simm.s32 @!p0 $0x0  }
0x12: {  	s1 =	sld [smem:$0x3F9C];
	s0 =	simm.s32 @p0 $0x1  }
0x13: {  	[smem:$0x3FB7] =	sst s0;
	s0 =	simm.s32 @!p1 $0x0  }
0x14: {  	s2 =	sld [smem:$0x3F9B];
	s0 =	simm.s32 @p1 $0x1  }
0x15: {  	[smem:$0x3FB8] =	sst s0;
	s0 =	simm.s32 @!p2 $0x0  }
0x16: {  	s3 =	sld [smem:$0x3FDB];
	s0 =	simm.s32 @p2 $0x1  }
0x17: {  	s4 =	simm.s32 $0x1BF5;
	[smem:$0x3FBA] =	sst s0  }
0x18: {  	s0 =	sld [smem:$0x3F9D];
	_ =	swait.ge [sflag:s4], $0x0  }
0x19: {  	s7 =	sld [smem:$0x3F9E]  }
0x1a: {  	s8 =	sadd.s32 $0xFFFFE003, lr  }
0x1b: {  	s9 =	sadd.s32 $0xFFFFFEF7, lr;
	s5 =	simm.s32 $0xFFFFFFFF;
	p2 =	slt.u32 s8, $0xFFFFF086  }
0x1c: {  	p1 =	slt.u32 s9, $0xF7A;
	s5 =	simm.s32 @!p2 $0x0  }
0x1d: {  	s5 =	simm.s32 @p1 $0x1;
	p0 =	seq.s32 s7, s2  }
0x1e: {  	s7 =	smul.u32 @!p0 $0xF7A, s2;
	p2 =	seq.s32 @!p0 s5, $0x0  }
0x1f: {  	s9 =	smul.u32 $0xF7A, s1;
	s8 =	simm.s32 @!p0 $0x1BF5;
	p2 =	por !p2, p0  }
0x20: {  	[sflag:s8] =	ssyncset.s32 @!p0 $0xFFFFF086;
	s6 =	sadd.s32 @!p0 s3, s7;
	s7 =	simm.s32 @!p0 $0x108  }
0x21: {  	s3 =	sadd.s32 s3, s9;
	s6 =	sadd.s32 @!p0 $0x88, s6;
	s7 =	simm.s32 @p2 $0x1082  }
0x22: {  	[simem:s7], [sflag:s8] =	dma.local @!p0 [hbm:s6], $0xF7A  }
0x23: {  	s9 =	sor.u32 $0xD0000000, s2;
	s6 =	simm.s32 $0x108;
	_ =	swait.ge @!p0 [sflag:s8], $0x0  }
0x24: {  	s3 =	sadd.s32 $0x88, s3;
	s6 =	simm.s32 @!p1 $0x1082;
	[sflag:s4] =	ssyncset.s32 $0xFFFFF086  }
0x25: {  	[simem:s6], [sflag:s4] =	dma.local [hbm:s3], $0xF7A  }
0x26: {  	[smem:$0x3F9E] =	sst s1;
	(tag) =	ssettag s2;
	_ =	strace s9  }
0x27: {  	s1 =	sld [smem:$0x3FAE]  }
0x28: {  	s2 =	sld [smem:$0x3FAF]  }
0x29: {  	s4 =	sld [smem:$0x3FB1]  }
0x2a: {  	p0 =	seq.s32 s5, $0x0;
	s5 =	sld [smem:$0x3FB2]  }
0x2b: {  	s6 =	sld [smem:$0x3FB3]  }
0x2c: {  	s7 =	sld [smem:$0x3FB4]  }
0x2d: {  	s3 =	simm.s32 $0x108;
	s8 =	sld [smem:$0x3FB5]  }
0x2e: {  	s3 =	simm.s32 @!p0 $0x1082;
	s9 =	sld [smem:$0x3FB6]  }
0x2f: {  	lr =	sadd.s32 s0, s3;
	s0 =	sld [smem:$0x3FAD]  }
0x30: {  	s3 =	sld [smem:$0x3FB0]  }
0x31: {  	[smem:$0x3FB9] =	sst s10  }
0x32: {  	s10 =	sld [smem:$0x3FB7];
	_ =	sdelay $0x3  }
0x33: {  	p0 =	seq.s32 s10, $0x1;
	s10 =	sld [smem:$0x3FB9];
	_ =	sdelay $0x3  }
0x34: {  	[smem:$0x3FB9] =	sst s10  }
0x35: {  	s10 =	sld [smem:$0x3FB8];
	_ =	sdelay $0x3  }
0x36: {  	p1 =	seq.s32 s10, $0x1;
	s10 =	sld [smem:$0x3FB9];
	_ =	sdelay $0x3  }
0x37: {  	[smem:$0x3FB9] =	sst s10  }
0x38: {  	s10 =	sld [smem:$0x3FBA]  }
0x39: {  	_ = 	snop;
	(pc) =	sbr.ind lr, $3  }
0x3a: {  	_ = 	snop  }
0x3b: {  	_ = 	snop  }
0x3c: {  	p2 =	seq.s32 s10, $0x1;
	s10 =	sld [smem:$0x3FB9]  }
0x3d: {  	_ =	shalt  }
0x3e: {  	_ =	shalt  }
0x3f: {  	_ =	shalt  }
0x40: {  	_ =	shalt  }
0x41: {  	_ =	shalt  }
0x42: {  	_ =	shalt  }
0x43: {  	_ =	shalt  }
0x44: {  	_ =	shalt  }
0x45: {  	_ =	shalt  }
0x46: {  	_ =	shalt  }
0x47: {  	_ =	shalt  }
0x48: {  	_ =	shalt  }
0x49: {  	_ =	shalt  }
0x4a: {  	_ =	shalt  }
0x4b: {  	_ =	shalt  }
0x4c: {  	_ =	shalt  }
0x4d: {  	_ =	shalt  }
0x4e: {  	_ =	shalt  }
0x4f: {  	_ =	shalt  }
0x50: {  	_ =	shalt  }
0x51: {  	_ =	shalt  }
0x52: {  	_ =	shalt  }
0x53: {  	_ =	shalt  }
0x54: {  	_ =	shalt  }
0x55: {  	_ =	shalt  }
0x56: {  	_ =	shalt  }
0x57: {  	_ =	shalt  }
0x58: {  	_ =	shalt  }
0x59: {  	_ =	shalt  }
0x5a: {  	_ =	shalt  }
0x5b: {  	_ =	shalt  }
0x5c: {  	_ =	shalt  }
0x5d: {  	_ =	shalt  }
0x5e: {  	_ =	shalt  }
0x5f: {  	_ =	shalt  }
0x60: {  	_ =	shalt  }
0x61: {  	_ =	shalt  }
0x62: {  	_ =	shalt  }
0x63: {  	_ =	shalt  }
0x64: {  	_ =	shalt  }
0x65: {  	_ =	shalt  }
0x66: {  	_ =	shalt  }
0x67: {  	_ =	shalt  }
0x68: {  	_ =	shalt  }
0x69: {  	_ =	shalt  }
0x6a: {  	_ =	shalt  }
0x6b: {  	_ =	shalt  }
0x6c: {  	_ =	shalt  }
0x6d: {  	_ =	shalt  }
0x6e: {  	_ =	shalt  }
0x6f: {  	_ =	shalt  }
0x70: {  	_ =	shalt  }
0x71: {  	_ =	shalt  }
0x72: {  	_ =	shalt  }
0x73: {  	_ =	shalt  }
0x74: {  	_ =	shalt  }
0x75: {  	_ =	shalt  }
0x76: {  	_ =	shalt  }
0x77: {  	_ =	shalt  }
0x78: {  	_ =	shalt  }
0x79: {  	_ =	shalt  }
0x7a: {  	_ =	shalt  }
0x7b: {  	_ =	shalt  }
0x7c: {  	_ =	shalt  }
0x7d: {  	_ =	shalt  }
0x7e: {  	_ =	shalt  }
0x7f: {  	_ =	shalt  }
0x80: {  	_ =	shalt  }
0x81: {  	_ =	shalt  }
0x82: {  	_ =	shalt  }
0x83: {  	_ =	shalt  }
0x84: {  	_ =	shalt  }
0x85: {  	_ =	shalt  }
0x86: {  	_ =	shalt  }
0x87: {  	_ =	shalt  }
.Lfunc_end0:
.L_simem_size_0:
called_computation_lowered:
.L_overlay_start_0:
0x88: {  	s2 =	sld [smem:$0x3FD9]  }
0x89: {  	s3 =	sld [smem:$0x3FFE];
	_ =	sdelay $0x1  }
0x8a: {  	s1 =	srdreg.scid  }
0x8b: {  	s0 =	sand.u32 $0x1, s1  }
0x8c: {  	s18 =	sshll.u32 s0, $0xA;
	s2 =	sadd.s32 s3, s2  }
0x8d: {  	s2 =	sadd.s32 s2, s18  }
0x8e: {  	[smem:$0x3FC5] =	sst s2  }
0x8f: {  	_ = 	snop  }
0x90: {  	s2 =	sld [smem:$0x3FC8]  }
0x91: {  	s19 =	sld [smem:$0x3FC7]  }
0x92: {  	s4 =	sld [smem:$0x3FD0];
	(tm) =	ssettm $0x1  }
0x93: {  	s5 =	sld [smem:$0x3FFB];
	_ =	sdelay $0x3  }
0x94: {  	_ =	strace s5  }
0x95: {  	s5 =	sld [smem:$0x3FFC];
	_ =	sdelay $0x3  }
0x96: {  	_ =	strace s5  }
0x97: {  	s5 =	sld [smem:$0x3FFD];
	_ =	sdelay $0x3  }
0x98: {  	_ =	strace s5  }
0x99: {  	_ =	strace $0x8FFFFFFF  }
0x9a: {  	s20 =	sld [smem:$0x3FDB];
	_ =	sdelay $0x1  }
0x9b: {  	s6 =	simm.s32 $_scs_section_size  }
0x9c: {  	s7 =	simm.s32 $_size__tile_overlayer_lowered;
	s8 =	simm.s32 $_tile_overlayer_lowered  }
0x9d: {  	s23 =	simm.s32 $0x1BFF;
	s22 =	sshll.u32 s8, $0x1;
	s5 =	sadd.s32 s6, s20  }
0x9e: {  	s9 =	simm.s32 $0x0;
	s21 =	sshll.u32 s7, $0x1;
	s7 =	sadd.s32 s22, s5  }
0x9f: {  	[timem:s9], [sflag:s23] =	dma.local [hbm:s7], s21  }
0xa0: {  	_ =	swait.ge [sflag:s23], s21  }
0xa1: {  	s6 =	ssub.s32 $0x0, s21;
	[sflag:s23] =	ssyncset.done $0x0  }
0xa2: {  	[sflag:s23] =	ssyncadd.s32 s6;
	_ =	sdelay $0x1  }
0xa3: {  	s24 =	simm.s32 $0x1B8B  }
0xa4: {  	_ =	swait.ge [sflag:s24], $0x1  }
0xa5: {  	[sflag:s24] =	ssyncset.done $0x0  }
0xa6: {  	s25 =	simm.s32 $0x1B8E;
	[sflag:s24] =	ssyncadd.s32 $0xFFFFFFFF  }
0xa7: {  	s26 =	simm.s32 $execute0_lowered;
	[smem:$0x3FD2] =	sst s25  }
0xa8: {  	s6 =	sshll.u32 s26, $0x1;
	_ =	strace $0x80000046;
	[dreg:$0x1] =	wrdreg $0xFFFFFFFF  }
0xa9: {  	s28 =	simm.s32 $_size_execute0_lowered;
	s5 =	sadd.s32 s5, s6;
	[dreg:$0x0] =	wrdreg $0x0  }
0xaa: {  	s6 =	sshll.u32 s28, $0x1;
	[dreg:$0x2] =	wrdreg s5  }
0xab: {  	[dreg:$0x3] =	wrdreg s6  }
0xac: {  	[dreg:$0x4] =	wrdreg $0xC0  }
0xad: {  	_ =	task [dreg:s9], $0x5FFFF  }
0xae: {  	[dreg:$0x1] =	wrdreg $0xFFFFFFFF  }
0xaf: {  	[dreg:$0x0] =	wrdreg $0x60  }
0xb0: {  	[dreg:$0x2] =	wrdreg s2  }
0xb1: {  	[dreg:$0x3] =	wrdreg s19  }
0xb2: {  	[dreg:$0x4] =	wrdreg s4  }
0xb3: {  	[dreg:$0x5] =	wrdreg $0x9  }
0xb4: {  	_ =	task.clear_ibuf [dreg:s9], $0x6FFFF;
	_ =	strace $0x90000046  }
0xb5: {  	s29 =	simm.s32 $0x9;
	_ =	strace $0x80000048  }
0xb6: {  	_ =	swait.ge [sflag:s29], $0x1  }
0xb7: {  	[sflag:s29] =	ssyncadd.s32 $0xFFFFFFFF  }
0xb8: {  	_ =	strace $0x90000048  }
0xb9: {  	_ =	sfence  }
0xba: {  	s30 =	sld [smem:$0x0];
	_ =	sdelay $0x2  }
0xbb: {  	s31 =	sshll.u32 s1, $0xD;
	s1 =	sshrl.u32 s1, $0x2  }
0xbc: {  	s3 =	sand.u32 $0x4000, s31;
	s1 =	sadd.s32 s1, s30  }
0xbd: {  	s0 =	sor.u32 s3, s0;
	s1 =	sshll.u32 s1, $0x11  }
0xbe: {  	s0 =	sor.u32 s1, s0  }
0xbf: {  	s0 =	sadd.s32 $0x8F2B, s0  }
0xc0: {  	[sflag:s0] =	ssyncadd.remote.s32 $0x1  }
0xc1: {  	_ =	sfence.sel $0xFFFF  }
0xc2: {  	[dreg:$0x0] =	wrdreg $0xFFFFFFFF;
	(pc) =	sbr.abs _section_cstart, $3  }
0xc3: {  	[dreg:$0x1] =	wrdreg $0xFFFFFFFF  }
0xc4: {  	_ =	task.clear_ibuf [dreg:s9], $0x2FFFF;
	_ =	strace $0x9FFFFFFF  }
0xc5: {  	(tm) =	ssettm $0x7FFFFFFF  }
tec
execute0_lowered:
.L_overlay_start_1:
0x0: {  	(tag) =	ssettag $0x1  }
0x1: {  	v0 =	vimm.s32 $0x1780;
	vm0 =	vcmask $0x300  }
0x2: {  	vm14 =	vcmask $0x704;
	v0 =	vsel vm0, $0x0, v0  }
0x3: {  	vm15 =	vcmask $0xB08;
	v0 =	vsel vm14, $0x80, v0  }
0x4: {  	s3 =	rddreg [dreg:$0x0];
	vm4 =	vcmask $0xF0C;
	v0 =	vsel vm15, $0x100, v0  }
0x5: {  	s1 =	srdreg.scid;
	vm5 =	vcmask $0x1310;
	s6 =	rddreg [dreg:$0x1];
	v0 =	vsel vm4, $0x180, v0  }
0x6: {  	s0 =	stileid.u32;
	vm6 =	vcmask $0x1714;
	s7 =	rddreg [dreg:$0x2];
	v0 =	vsel vm5, $0x200, v0  }
0x7: {  	vm7 =	vcmask $0x1B18;
	s4 =	sand.u32 $0x1, s1;
	s29 =	sshll.u32 s0, $0x1;
	s5 =	sshrl.u32 s0, $0x3;
	v0 =	vsel vm6, $0x280, v0  }
0x8: {  	vm8 =	vcmask $0x1F1C;
	v3 =	vlaneseq.u32;
	s13 =	simm.s32 $0x0;
	s1 =	sor.u32 s4, s29;
	s2 =	sshll.u32 s5, $0x4;
	v0 =	vsel vm7, $0x300, v0  }
0x9: {  	vm9 =	vcmask $0x2320;
	vm10 =	vcmask $0x2724;
	s4 =	ssub.s32 $0x2, s4;
	s10 =	smul.u32 $0xC00, s5;
	s8 =	ssub.s32 s1, s2;
	v0 =	vsel vm8, $0x380, v0  }
0xa: {  	v2 =	vimm.f32 $1.000000000e+00;
	s12 =	sshll.u32 s5, $0xC;
	s30 =	sshll.u32 s5, $0xA;
	s1 =	rddreg [dreg:$0x3];
	v1 =	vmov s8;
	v0 =	vsel vm9, $0x1400, v0  }
0xb: {  	vm11 =	vcmask $0x2B28;
	s2 =	simm.s32 $0x0;
	s9 =	sshrl.u32 s4, $0x1;
	s3 =	sadd.s32 s3, s30;
	vm1 =	veq.s32 v1, v3;
	v4 =	vsel vm10, $0x1480, v0  }
0xc: {  	vm12 =	vcmask $0x2F2C;
	[smem:$0x7FF] =	sst s2;
	s11 =	sshll.u32 s8, $0xE;
	s9 =	ssub.s32 s4, s9;
	v0 =	vsel vm1, $0x0, v2;
	v2 =	vsel vm11, $0x1500, v4  }
0xd: {  	vm13 =	vcmask $0x3330;
	vm14 =	vcmask $0x3734;
	s4 =	sadd.s32 s6, s10;
	s10 =	simm.s32 $0xA200;
	_ =	strace $0x80000047;
	v2 =	vsel vm12, $0x1580, v2  }
0xe: {  	vm15 =	vcmask $0x3B38;
	s31 =	sor.u32 s12, s11;
	v1 =	vshrl.u32 v1, $0x1B;
	s6 =	smax.u32 s9, $0x1;
	s9 =	simm.s32 $0x8000;
	v2 =	vsel vm13, $0x1600, v2  }
0xf: {  	v3 =	vmul.u32 $0x11, v3;
	s11 =	simm.s32 $0x12200;
	s12 =	simm.s32 $0x13600;
	s5 =	sshrl.u32 s31, $0x3;
	v1 =	vand.u32 $0x10, v1;
	v4 =	vsel vm14, $0x1680, v2  }
0x10: {  	s5 =	sadd.s32 s7, s5;
	s7 =	simm.s32 $0x1;
	v1 =	vadd.s32 s8, v1;
	s8 =	simm.s32 $0x2000;
	v2 =	vimm.s32 $0x0;
	v4 =	vsel vm15, $0x1700, v4  }
.LBB2_1:
0x11: {  	[tilespmem:s2], [sflag:$0x1] =	stream.linear.gather [hbm4b:s3+s2], $0x2000, $0x38;
	[tilespmem:$0x14A00] =	vst v63  }
0x12: {  	_ =	swait.ge [sflag:s7], $0x2000  }
0x13: {  	[sflag:s7] =	ssyncset.done $0x0  }
0x14: {  	[sflag:s7] =	ssyncadd.s32 $0xFFFFE000  }
0x15: {  	[tilespmem:s8], [sflag:$0x1] =	stream.linear.gather [hbm4b:s4+s2], $0x6000, $0x38;
	[tilespmem:$0x14A00] =	vst v63  }
0x16: {  	_ =	swait.ge [sflag:s7], $0x6000  }
0x17: {  	[sflag:s7] =	ssyncset.done $0x0  }
0x18: {  	s14 =	simm.s32 $0x0;
	s15 =	simm.s32 $0x200;
	[sflag:s7] =	ssyncadd.s32 $0xFFFFA000  }
.LBB2_2:
0x19: {  	p0 =	sne.s32 s15, $0x1FE00;
	[tilespmem:s14+$0xA270] =	vst v2  }
0x1a: {  	[tilespmem:s14+$0xA200] =	vst v2  }
0x1b: {  	[tilespmem:s14+$0xA210] =	vst v2  }
.Ltmp0:
0x1c: {  	[tilespmem:s14+$0xA220] =	vst v2;
	(pc) =	sbr.rel @p0 .LBB2_2-.Ltmp0, $4  }
0x1d: {  	[tilespmem:s14+$0xA230] =	vst v2  }
0x1e: {  	[tilespmem:s14+$0xA240] =	vst v2  }
0x1f: {  	[tilespmem:s14+$0xA250] =	vst v2  }
0x20: {  	[tilespmem:s14+$0xA260] =	vst v2;
	s14 =	sshra.s32 s15, $0x2;
	s15 =	sadd.s32 $0x200, s15  }
0x21: {  	[tilespmem:s14+$0xA270] =	vst v2  }
0x22: {  	[tilespmem:s14+$0xA200] =	vst v2  }
0x23: {  	[tilespmem:s14+$0xA210] =	vst v2  }
0x24: {  	[tilespmem:s14+$0xA220] =	vst v2  }
0x25: {  	[tilespmem:s14+$0xA230] =	vst v2  }
0x26: {  	[tilespmem:s14+$0xA240] =	vst v2  }
0x27: {  	[tilespmem:s14+$0xA250] =	vst v2;
	s15 =	simm.s32 $0xF;
	s16 =	simm.s32 $0xFFFFFE00  }
0x28: {  	[tilespmem:s14+$0xA260] =	vst v2;
	s14 =	simm.s32 $0x0;
	s17 =	simm.s32 $0x0;
	s18 =	simm.s32 $0x0  }
.LBB2_4:
0x29: {  	s21 =	sadd.s32 $0x200, s16  }
0x2a: {  	s20 =	sand.u32 $0xC00, s18;
	s19 =	sand.u32 $0x70, s21  }
0x2b: {  	s19 =	sor.u32 s19, s20  }
0x2c: {  	v5 =	vld [tilespmem:s19+$0x2000]  }
0x2d: {  	v6 =	vld [tilespmem:s19+$0x4000]  }
0x2e: {  	v7 =	vld [tilespmem:s19+$0x6000];
	_ =	sdelay $0x3  }
0x2f: {  	v8 =	vld [tilespmem:s19+$0x0];
	v5 =	vtrunc.f32 v5;
	v6 =	vtrunc.f32 v6  }
0x30: {  	v7 =	vtrunc.f32 v7;
	v5 =	vcvt.f32.s32 v5  }
0x31: {  	s31 =	sadd.s32 $0xFFFFFFF1, s15;
	v6 =	vcvt.f32.s32 v6;
	v7 =	vcvt.f32.s32 v7  }
0x32: {  	v9 =	vadd.s32 s31, v3;
	v5 =	vshll.u32 v5, $0x4  }
0x33: {  	v6 =	vshll.u32 v6, $0x2;
	v5 =	vadd.s32 v7, v5  }
0x34: {  	v7 =	vshll.u32 v8, $0x6;
	v5 =	vadd.s32 v6, v5  }
0x35: {  	v5 =	vadd.s32 v7, v5  }
0x36: {  	v5 =	vadd.s32 $0x15, v5  }
0x37: {  	[tilespmem:v9+s9+$0x0] =	vst.idx.msk $0xffff, v5  }
0x38: {  	v5 =	vld [tilespmem:s19+$0x2080]  }
0x39: {  	v6 =	vld [tilespmem:s19+$0x4080]  }
0x3a: {  	v7 =	vld [tilespmem:s19+$0x6080];
	_ =	sdelay $0x3  }
0x3b: {  	v34 =	vld [tilespmem:s19+$0x80];
	v5 =	vtrunc.f32 v5;
	v6 =	vtrunc.f32 v6  }
0x3c: {  	v7 =	vtrunc.f32 v7;
	v5 =	vcvt.f32.s32 v5  }
0x3d: {  	s22 =	sadd.s32 $0xFFFFFFF2, s15;
	v6 =	vcvt.f32.s32 v6;
	v7 =	vcvt.f32.s32 v7  }
0x3e: {  	v35 =	vadd.s32 s22, v3;
	v5 =	vshll.u32 v5, $0x4  }
0x3f: {  	v6 =	vshll.u32 v6, $0x2;
	v5 =	vadd.s32 v7, v5  }
0x40: {  	v7 =	vshll.u32 v34, $0x6;
	v5 =	vadd.s32 v6, v5  }
0x41: {  	v5 =	vadd.s32 v7, v5  }
0x42: {  	v5 =	vadd.s32 $0x15, v5  }
0x43: {  	[tilespmem:v35+s9+$0x0] =	vst.idx.msk $0xffff, v5  }
0x44: {  	v5 =	vld [tilespmem:s19+$0x2100]  }
0x45: {  	v6 =	vld [tilespmem:s19+$0x4100]  }
0x46: {  	v7 =	vld [tilespmem:s19+$0x6100];
	_ =	sdelay $0x3  }
0x47: {  	v36 =	vld [tilespmem:s19+$0x100];
	v5 =	vtrunc.f32 v5;
	v6 =	vtrunc.f32 v6  }
0x48: {  	v7 =	vtrunc.f32 v7;
	v5 =	vcvt.f32.s32 v5  }
0x49: {  	s23 =	sadd.s32 $0xFFFFFFF3, s15;
	v6 =	vcvt.f32.s32 v6;
	v7 =	vcvt.f32.s32 v7  }
0x4a: {  	v37 =	vadd.s32 s23, v3;
	v5 =	vshll.u32 v5, $0x4  }
0x4b: {  	v6 =	vshll.u32 v6, $0x2;
	v5 =	vadd.s32 v7, v5  }
0x4c: {  	v7 =	vshll.u32 v36, $0x6;
	v5 =	vadd.s32 v6, v5  }
0x4d: {  	s24 =	sand.u32 $0xFFFFFC00, s18;
	v5 =	vadd.s32 v7, v5  }
0x4e: {  	s20 =	sadd.s32 s24, s17;
	v5 =	vadd.s32 $0x15, v5  }
0x4f: {  	s22 =	sor.u32 $0x180, s20;
	[tilespmem:v37+s9+$0x0] =	vst.idx.msk $0xffff, v5  }
0x50: {  	v5 =	vld [tilespmem:s22+$0x2000]  }
0x51: {  	v6 =	vld [tilespmem:s19+$0x4180]  }
0x52: {  	v7 =	vld [tilespmem:s19+$0x6180];
	_ =	sdelay $0x3  }
0x53: {  	v38 =	vld [tilespmem:s22+$0x0];
	v5 =	vtrunc.f32 v5;
	v6 =	vtrunc.f32 v6  }
0x54: {  	v7 =	vtrunc.f32 v7;
	v5 =	vcvt.f32.s32 v5  }
0x55: {  	s25 =	sadd.s32 $0xFFFFFFF4, s15;
	v6 =	vcvt.f32.s32 v6;
	v7 =	vcvt.f32.s32 v7  }
0x56: {  	v39 =	vadd.s32 s25, v3;
	v5 =	vshll.u32 v5, $0x4  }
0x57: {  	v6 =	vshll.u32 v6, $0x2;
	v5 =	vadd.s32 v7, v5  }
0x58: {  	v7 =	vshll.u32 v38, $0x6;
	v5 =	vadd.s32 v6, v5  }
0x59: {  	v5 =	vadd.s32 v7, v5  }
0x5a: {  	v5 =	vadd.s32 $0x15, v5  }
0x5b: {  	[tilespmem:v39+s9+$0x0] =	vst.idx.msk $0xffff, v5  }
0x5c: {  	v5 =	vld [tilespmem:s19+$0x2200]  }
0x5d: {  	v6 =	vld [tilespmem:s19+$0x4200]  }
0x5e: {  	v7 =	vld [tilespmem:s19+$0x6200];
	_ =	sdelay $0x3  }
0x5f: {  	v40 =	vld [tilespmem:s19+$0x200];
	v5 =	vtrunc.f32 v5;
	v6 =	vtrunc.f32 v6  }
0x60: {  	v7 =	vtrunc.f32 v7;
	v5 =	vcvt.f32.s32 v5  }
0x61: {  	s26 =	sadd.s32 $0xFFFFFFF5, s15;
	v6 =	vcvt.f32.s32 v6;
	v7 =	vcvt.f32.s32 v7  }
0x62: {  	v41 =	vadd.s32 s26, v3;
	v5 =	vshll.u32 v5, $0x4  }
0x63: {  	v6 =	vshll.u32 v6, $0x2;
	v5 =	vadd.s32 v7, v5  }
0x64: {  	v7 =	vshll.u32 v40, $0x6;
	v5 =	vadd.s32 v6, v5  }
0x65: {  	v5 =	vadd.s32 v7, v5  }
0x66: {  	v5 =	vadd.s32 $0x15, v5  }
0x67: {  	[tilespmem:v41+s9+$0x0] =	vst.idx.msk $0xffff, v5  }
0x68: {  	v5 =	vld [tilespmem:s19+$0x2280]  }
0x69: {  	v6 =	vld [tilespmem:s19+$0x4280]  }
0x6a: {  	v7 =	vld [tilespmem:s19+$0x6280];
	_ =	sdelay $0x3  }
0x6b: {  	v42 =	vld [tilespmem:s19+$0x280];
	v5 =	vtrunc.f32 v5;
	v6 =	vtrunc.f32 v6  }
0x6c: {  	v7 =	vtrunc.f32 v7;
	v5 =	vcvt.f32.s32 v5  }
0x6d: {  	s28 =	sadd.s32 $0xFFFFFFF6, s15;
	v6 =	vcvt.f32.s32 v6;
	v7 =	vcvt.f32.s32 v7  }
0x6e: {  	v43 =	vadd.s32 s28, v3;
	v5 =	vshll.u32 v5, $0x4  }
0x6f: {  	v6 =	vshll.u32 v6, $0x2;
	v5 =	vadd.s32 v7, v5  }
0x70: {  	v7 =	vshll.u32 v42, $0x6;
	v5 =	vadd.s32 v6, v5  }
0x71: {  	v5 =	vadd.s32 v7, v5  }
0x72: {  	v5 =	vadd.s32 $0x15, v5  }
0x73: {  	[tilespmem:v43+s9+$0x0] =	vst.idx.msk $0xffff, v5  }
0x74: {  	v5 =	vld [tilespmem:s19+$0x2300]  }
0x75: {  	v6 =	vld [tilespmem:s19+$0x4300]  }
0x76: {  	v7 =	vld [tilespmem:s19+$0x6300];
	_ =	sdelay $0x3  }
0x77: {  	v44 =	vld [tilespmem:s19+$0x300];
	v5 =	vtrunc.f32 v5;
	v6 =	vtrunc.f32 v6  }
0x78: {  	v7 =	vtrunc.f32 v7;
	v5 =	vcvt.f32.s32 v5  }
0x79: {  	s29 =	sadd.s32 $0xFFFFFFF7, s15;
	v6 =	vcvt.f32.s32 v6;
	v7 =	vcvt.f32.s32 v7  }
0x7a: {  	v45 =	vadd.s32 s29, v3;
	v5 =	vshll.u32 v5, $0x4  }
0x7b: {  	v6 =	vshll.u32 v6, $0x2;
	v5 =	vadd.s32 v7, v5  }
0x7c: {  	v7 =	vshll.u32 v44, $0x6;
	v5 =	vadd.s32 v6, v5  }
0x7d: {  	v5 =	vadd.s32 v7, v5  }
0x7e: {  	s21 =	sor.u32 s21, s18;
	v5 =	vadd.s32 $0x15, v5  }
0x7f: {  	s30 =	sor.u32 $0x380, s21;
	[tilespmem:v45+s9+$0x0] =	vst.idx.msk $0xffff, v5  }
0x80: {  	v5 =	vld [tilespmem:s30+$0x2000]  }
0x81: {  	v6 =	vld [tilespmem:s19+$0x4380]  }
0x82: {  	v7 =	vld [tilespmem:s19+$0x6380];
	_ =	sdelay $0x3  }
0x83: {  	v46 =	vld [tilespmem:s30+$0x0];
	v5 =	vtrunc.f32 v5;
	v6 =	vtrunc.f32 v6  }
0x84: {  	v7 =	vtrunc.f32 v7;
	v5 =	vcvt.f32.s32 v5  }
0x85: {  	s31 =	sadd.s32 $0xFFFFFFF8, s15;
	v6 =	vcvt.f32.s32 v6;
	v7 =	vcvt.f32.s32 v7  }
0x86: {  	v47 =	vadd.s32 s31, v3;
	v5 =	vshll.u32 v5, $0x4  }
0x87: {  	v6 =	vshll.u32 v6, $0x2;
	v5 =	vadd.s32 v7, v5  }
0x88: {  	v7 =	vshll.u32 v46, $0x6;
	v5 =	vadd.s32 v6, v5  }
0x89: {  	v5 =	vadd.s32 v7, v5  }
0x8a: {  	v5 =	vadd.s32 $0x15, v5  }
0x8b: {  	[tilespmem:v47+s9+$0x0] =	vst.idx.msk $0xffff, v5  }
0x8c: {  	v5 =	vld [tilespmem:s19+$0x3000]  }
0x8d: {  	v6 =	vld [tilespmem:s19+$0x5000]  }
0x8e: {  	v7 =	vld [tilespmem:s19+$0x7000];
	_ =	sdelay $0x3  }
0x8f: {  	v48 =	vld [tilespmem:s19+$0x1000];
	v5 =	vtrunc.f32 v5;
	v6 =	vtrunc.f32 v6  }
0x90: {  	v7 =	vtrunc.f32 v7;
	v5 =	vcvt.f32.s32 v5  }
0x91: {  	s23 =	sadd.s32 $0xFFFFFFF9, s15;
	v6 =	vcvt.f32.s32 v6;
	v7 =	vcvt.f32.s32 v7  }
0x92: {  	v49 =	vadd.s32 s23, v3;
	v5 =	vshll.u32 v5, $0x4  }
0x93: {  	v6 =	vshll.u32 v6, $0x2;
	v5 =	vadd.s32 v7, v5  }
0x94: {  	v7 =	vshll.u32 v48, $0x6;
	v5 =	vadd.s32 v6, v5  }
0x95: {  	v5 =	vadd.s32 v7, v5  }
0x96: {  	v5 =	vadd.s32 $0x15, v5  }
0x97: {  	[tilespmem:v49+s9+$0x0] =	vst.idx.msk $0xffff, v5  }
0x98: {  	v5 =	vld [tilespmem:s19+$0x3080]  }
0x99: {  	v6 =	vld [tilespmem:s19+$0x5080]  }
0x9a: {  	v7 =	vld [tilespmem:s19+$0x7080];
	_ =	sdelay $0x3  }
0x9b: {  	v50 =	vld [tilespmem:s19+$0x1080];
	v5 =	vtrunc.f32 v5;
	v6 =	vtrunc.f32 v6  }
0x9c: {  	v7 =	vtrunc.f32 v7;
	v5 =	vcvt.f32.s32 v5  }
0x9d: {  	s24 =	sadd.s32 $0xFFFFFFFA, s15;
	v6 =	vcvt.f32.s32 v6;
	v7 =	vcvt.f32.s32 v7  }
0x9e: {  	v51 =	vadd.s32 s24, v3;
	v5 =	vshll.u32 v5, $0x4  }
0x9f: {  	v6 =	vshll.u32 v6, $0x2;
	v5 =	vadd.s32 v7, v5  }
0xa0: {  	v7 =	vshll.u32 v50, $0x6;
	v5 =	vadd.s32 v6, v5  }
0xa1: {  	v5 =	vadd.s32 v7, v5  }
0xa2: {  	v5 =	vadd.s32 $0x15, v5  }
0xa3: {  	[tilespmem:v51+s9+$0x0] =	vst.idx.msk $0xffff, v5  }
0xa4: {  	v5 =	vld [tilespmem:s19+$0x3100]  }
0xa5: {  	v6 =	vld [tilespmem:s19+$0x5100]  }
0xa6: {  	v7 =	vld [tilespmem:s19+$0x7100];
	_ =	sdelay $0x3  }
0xa7: {  	v52 =	vld [tilespmem:s19+$0x1100];
	v5 =	vtrunc.f32 v5;
	v6 =	vtrunc.f32 v6  }
0xa8: {  	v7 =	vtrunc.f32 v7;
	v5 =	vcvt.f32.s32 v5  }
0xa9: {  	s25 =	sadd.s32 $0xFFFFFFFB, s15;
	v6 =	vcvt.f32.s32 v6;
	v7 =	vcvt.f32.s32 v7  }
0xaa: {  	v53 =	vadd.s32 s25, v3;
	v5 =	vshll.u32 v5, $0x4  }
0xab: {  	v6 =	vshll.u32 v6, $0x2;
	v5 =	vadd.s32 v7, v5  }
0xac: {  	v7 =	vshll.u32 v52, $0x6;
	v5 =	vadd.s32 v6, v5  }
0xad: {  	v5 =	vadd.s32 v7, v5  }
0xae: {  	v5 =	vadd.s32 $0x15, v5  }
0xaf: {  	s20 =	sor.u32 $0x1180, s20;
	[tilespmem:v53+s9+$0x0] =	vst.idx.msk $0xffff, v5  }
0xb0: {  	v5 =	vld [tilespmem:s20+$0x2000]  }
0xb1: {  	v6 =	vld [tilespmem:s19+$0x5180]  }
0xb2: {  	v7 =	vld [tilespmem:s19+$0x7180];
	_ =	sdelay $0x3  }
0xb3: {  	v54 =	vld [tilespmem:s20+$0x0];
	v5 =	vtrunc.f32 v5;
	v6 =	vtrunc.f32 v6  }
0xb4: {  	v7 =	vtrunc.f32 v7;
	v5 =	vcvt.f32.s32 v5  }
0xb5: {  	s26 =	sadd.s32 $0xFFFFFFFC, s15;
	v6 =	vcvt.f32.s32 v6;
	v7 =	vcvt.f32.s32 v7  }
0xb6: {  	v55 =	vadd.s32 s26, v3;
	v5 =	vshll.u32 v5, $0x4  }
0xb7: {  	v6 =	vshll.u32 v6, $0x2;
	v5 =	vadd.s32 v7, v5  }
0xb8: {  	v7 =	vshll.u32 v54, $0x6;
	v5 =	vadd.s32 v6, v5  }
0xb9: {  	v5 =	vadd.s32 v7, v5  }
0xba: {  	v5 =	vadd.s32 $0x15, v5  }
0xbb: {  	[tilespmem:v55+s9+$0x0] =	vst.idx.msk $0xffff, v5  }
0xbc: {  	v5 =	vld [tilespmem:s19+$0x3200]  }
0xbd: {  	v6 =	vld [tilespmem:s19+$0x5200]  }
0xbe: {  	v7 =	vld [tilespmem:s19+$0x7200];
	_ =	sdelay $0x3  }
0xbf: {  	v56 =	vld [tilespmem:s19+$0x1200];
	v5 =	vtrunc.f32 v5;
	v6 =	vtrunc.f32 v6  }
0xc0: {  	v7 =	vtrunc.f32 v7;
	v5 =	vcvt.f32.s32 v5  }
0xc1: {  	s28 =	sadd.s32 $0xFFFFFFFD, s15;
	v6 =	vcvt.f32.s32 v6;
	v7 =	vcvt.f32.s32 v7  }
0xc2: {  	v57 =	vadd.s32 s28, v3;
	v5 =	vshll.u32 v5, $0x4  }
0xc3: {  	v6 =	vshll.u32 v6, $0x2;
	v5 =	vadd.s32 v7, v5  }
0xc4: {  	v7 =	vshll.u32 v56, $0x6;
	v5 =	vadd.s32 v6, v5  }
0xc5: {  	v5 =	vadd.s32 v7, v5  }
0xc6: {  	v5 =	vadd.s32 $0x15, v5  }
0xc7: {  	[tilespmem:v57+s9+$0x0] =	vst.idx.msk $0xffff, v5  }
0xc8: {  	v5 =	vld [tilespmem:s19+$0x3280]  }
0xc9: {  	v6 =	vld [tilespmem:s19+$0x5280]  }
0xca: {  	v7 =	vld [tilespmem:s19+$0x7280];
	_ =	sdelay $0x3  }
0xcb: {  	v58 =	vld [tilespmem:s19+$0x1280];
	v5 =	vtrunc.f32 v5;
	v6 =	vtrunc.f32 v6  }
0xcc: {  	v7 =	vtrunc.f32 v7;
	v5 =	vcvt.f32.s32 v5  }
0xcd: {  	s29 =	sadd.s32 $0xFFFFFFFE, s15;
	v6 =	vcvt.f32.s32 v6;
	v7 =	vcvt.f32.s32 v7  }
0xce: {  	v59 =	vadd.s32 s29, v3;
	v5 =	vshll.u32 v5, $0x4  }
0xcf: {  	v6 =	vshll.u32 v6, $0x2;
	v5 =	vadd.s32 v7, v5  }
0xd0: {  	v7 =	vshll.u32 v58, $0x6;
	v5 =	vadd.s32 v6, v5  }
0xd1: {  	v5 =	vadd.s32 v7, v5  }
0xd2: {  	v5 =	vadd.s32 $0x15, v5  }
0xd3: {  	[tilespmem:v59+s9+$0x0] =	vst.idx.msk $0xffff, v5  }
0xd4: {  	v5 =	vld [tilespmem:s19+$0x3300]  }
0xd5: {  	v6 =	vld [tilespmem:s19+$0x5300]  }
0xd6: {  	v7 =	vld [tilespmem:s19+$0x7300];
	_ =	sdelay $0x3  }
0xd7: {  	v60 =	vld [tilespmem:s19+$0x1300];
	v5 =	vtrunc.f32 v5;
	v6 =	vtrunc.f32 v6  }
0xd8: {  	v7 =	vtrunc.f32 v7;
	v5 =	vcvt.f32.s32 v5  }
0xd9: {  	s30 =	sadd.s32 $0xFFFFFFFF, s15;
	v6 =	vcvt.f32.s32 v6;
	v7 =	vcvt.f32.s32 v7  }
0xda: {  	v61 =	vadd.s32 s30, v3;
	v5 =	vshll.u32 v5, $0x4  }
0xdb: {  	v6 =	vshll.u32 v6, $0x2;
	v5 =	vadd.s32 v7, v5  }
0xdc: {  	v7 =	vshll.u32 v60, $0x6;
	v5 =	vadd.s32 v6, v5  }
0xdd: {  	v5 =	vadd.s32 v7, v5  }
0xde: {  	v5 =	vadd.s32 $0x15, v5  }
0xdf: {  	s31 =	sor.u32 $0x1380, s21;
	[tilespmem:v61+s9+$0x0] =	vst.idx.msk $0xffff, v5  }
0xe0: {  	v5 =	vld [tilespmem:s31+$0x2000]  }
0xe1: {  	v6 =	vld [tilespmem:s19+$0x5380]  }
0xe2: {  	v7 =	vld [tilespmem:s19+$0x7380];
	_ =	sdelay $0x3  }
0xe3: {  	v62 =	vld [tilespmem:s31+$0x0];
	v5 =	vtrunc.f32 v5;
	v6 =	vtrunc.f32 v6  }
0xe4: {  	v7 =	vtrunc.f32 v7;
	v5 =	vcvt.f32.s32 v5  }
0xe5: {  	v6 =	vcvt.f32.s32 v6;
	v7 =	vcvt.f32.s32 v7  }
0xe6: {  	v63 =	vadd.s32 s15, v3;
	p0 =	sne.s32 s15, $0x20FF;
	v5 =	vshll.u32 v5, $0x4  }
.Ltmp1:
0xe7: {  	v6 =	vshll.u32 v6, $0x2;
	v5 =	vadd.s32 v7, v5;
	(pc) =	sbr.rel @p0 .LBB2_4-.Ltmp1, $4  }
0xe8: {  	v7 =	vshll.u32 v62, $0x6;
	v5 =	vadd.s32 v6, v5  }
0xe9: {  	v5 =	vadd.s32 v7, v5  }
0xea: {  	s16 =	sadd.s32 $0x10, s16;
	v5 =	vadd.s32 $0x15, v5  }
0xeb: {  	s18 =	sadd.s32 $0x80, s18;
	s17 =	sadd.s32 $0x10, s17;
	s15 =	sadd.s32 $0x110, s15;
	[tilespmem:v63+s9+$0x0] =	vst.idx.msk $0xffff, v5  }
0xec: {  	s15 =	simm.s32 $0x8088  }
0xed: {  	v10 =	vld [tilespmem:s15+$0x44]  }
0xee: {  	v9 =	vld [tilespmem:s15+$0x55]  }
0xef: {  	v5 =	vld [tilespmem:s15+$0x77]  }
0xf0: {  	v6 =	vld [tilespmem:s15+$0x66]  }
0xf1: {  	v25 =	vld [tilespmem:s15+$0xFFFFFF78]  }
0xf2: {  	v14 =	vld [tilespmem:s15+$0x0];
	v7 =	vperm.xlane v10, v1  }
0xf3: {  	v11 =	vld [tilespmem:s15+$0x22];
	v8 =	vperm.xlane v9, v1  }
0xf4: {  	v12 =	vld [tilespmem:s15+$0x11];
	v13 =	vperm.xlane v5, v1;
	(v2sf) =	vpush v7, $0x0  }
0xf5: {  	v16 =	vld [tilespmem:s15+$0xFFFFFFEF];
	v7 =	vperm.xlane v6, v1;
	(v2sf) =	vpush v8, $0x0  }
0xf6: {  	v18 =	vld [tilespmem:s15+$0xFFFFFFDE];
	v8 =	vperm.xlane v25, v1;
	(v2sf) =	vpush v13, $0x0  }
0xf7: {  	v53 =	vperm.xlane v14, v1;
	(v2sf) =	vpush v7, $0x0  }
0xf8: {  	v19 =	vld [tilespmem:s15+$0xFFFFFFCD];
	v7 =	vperm.xlane v11, v1;
	(v2sf) =	vpush v8, $0x0  }
0xf9: {  	v20 =	vld [tilespmem:s15+$0xFFFFFFBC];
	v8 =	vperm.xlane v12, v1;
	(v2sf) =	vpush v53, $0x0  }
0xfa: {  	v23 =	vld [tilespmem:s15+$0xFFFFFFAB];
	v54 =	vperm.xlane v16, v1;
	(v2sf) =	vpush v7, $0x0  }
0xfb: {  	v26 =	vld [tilespmem:s15+$0xFFFFFF9A];
	v7 =	vperm.xlane v18, v1;
	(v2sf) =	vpush v8, $0x0  }
0xfc: {  	(v2sf) =	vpush v54, $0x0  }
0xfd: {  	v27 =	vld [tilespmem:s15+$0xFFFFFF89];
	(v2sf) =	vpush v7, $0x0;
	v7 =	vperm.xlane v19, v1  }
0xfe: {  	v8 =	vperm.xlane v20, v1  }
0xff: {  	v15 =	vperm.xlane v23, v1;
	(v2sf) =	vpush v7, $0x0  }
0x100: {  	v13 =	vld [tilespmem:s15+$0x33];
	v7 =	vperm.xlane v26, v1;
	(v2sf) =	vpush v8, $0x0  }
0x101: {  	(v2sf) =	vpush v15, $0x0  }
0x102: {  	v8 =	vperm.xlane v27, v1;
	(v2sf) =	vpush v7, $0x0  }
0x103: {  	s16 =	spop (v2sf)  }
0x104: {  	(v2sf) =	vpush v8, $0x0;
	s16 =	sshra.s32 s16, $0x6;
	s17 =	spop (v2sf)  }
0x105: {  	v7 =	vperm.xlane v13, v1;
	s16 =	smul.u32 $0x44, s16;
	s17 =	sshra.s32 s17, $0x6;
	s18 =	spop (v2sf)  }
0x106: {  	s17 =	smul.u32 $0x44, s17;
	s18 =	sshra.s32 s18, $0x6;
	s19 =	spop (v2sf)  }
0x107: {  	(v2sf) =	vpush v7, $0x0;
	s19 =	sshra.s32 s19, $0x6;
	s18 =	smul.u32 $0x44, s18;
	s20 =	spop (v2sf)  }
0x108: {  	s16 =	sshra.s32 s16, $0x2;
	s20 =	sshra.s32 s20, $0x6;
	s21 =	spop (v2sf)  }
0x109: {  	s19 =	smul.u32 $0x44, s19;
	s17 =	sshra.s32 s17, $0x2;
	s21 =	sshra.s32 s21, $0x6  }
0x10a: {  	s22 =	spop (v2sf);
	s20 =	smul.u32 $0x44, s20;
	s18 =	sshra.s32 s18, $0x2  }
0x10b: {  	s22 =	sshra.s32 s22, $0x6;
	s23 =	spop (v2sf);
	s21 =	smul.u32 $0x44, s21  }
0x10c: {  	v17 =	vld [tilespmem:s16+$0x8000];
	s24 =	spop (v2sf);
	s23 =	sshra.s32 s23, $0x6;
	s26 =	smul.u32 $0x44, s22  }
0x10d: {  	v15 =	vld [tilespmem:s17+$0x8000];
	s24 =	sshra.s32 s24, $0x6;
	s25 =	spop (v2sf);
	s21 =	sshra.s32 s21, $0x2  }
0x10e: {  	v7 =	vld [tilespmem:s18+$0x8000];
	s31 =	sshra.s32 s25, $0x6;
	s25 =	sshra.s32 s20, $0x2;
	s20 =	spop (v2sf)  }
0x10f: {  	s24 =	smul.u32 $0x44, s24;
	v22 =	vld [tilespmem:s21+$0x8000];
	s29 =	sshra.s32 s26, $0x2;
	s22 =	spop (v2sf)  }
0x110: {  	s17 =	smul.u32 $0x44, s31;
	v21 =	vld [tilespmem:s29+$0x8000];
	s29 =	sshra.s32 s19, $0x2;
	s28 =	spop (v2sf)  }
0x111: {  	v28 =	vld [tilespmem:s25+$0x8000];
	s16 =	sshra.s32 s24, $0x2;
	s30 =	sshra.s32 s28, $0x6;
	s31 =	spop (v2sf)  }
0x112: {  	v8 =	vld [tilespmem:s29+$0x8000];
	s17 =	sshra.s32 s17, $0x2;
	s25 =	sshra.s32 s31, $0x6;
	s21 =	smul.u32 $0x44, s30  }
0x113: {  	v29 =	vld [tilespmem:s17+$0x8000];
	s26 =	spop (v2sf);
	s30 =	sshra.s32 s20, $0x6;
	s17 =	smul.u32 $0x44, s25  }
0x114: {  	v30 =	vld [tilespmem:s16+$0x8000];
	s28 =	sshra.s32 s26, $0x6;
	s19 =	smul.u32 $0x44, s30;
	s31 =	sshra.s32 s21, $0x2  }
0x115: {  	s25 =	sshra.s32 s22, $0x6;
	s16 =	smul.u32 $0x44, s28;
	s17 =	sshra.s32 s17, $0x2;
	v31 =	vld [tilespmem:s31+$0x8000]  }
0x116: {  	s21 =	smul.u32 $0x44, s23;
	s23 =	spop (v2sf);
	s19 =	sshra.s32 s19, $0x2;
	v32 =	vld [tilespmem:s17+$0x8000]  }
0x117: {  	s28 =	smul.u32 $0x44, s25;
	s24 =	sshra.s32 s23, $0x6;
	s16 =	sshra.s32 s16, $0x2;
	v35 =	vld [tilespmem:s19+$0x8000]  }
0x118: {  	s26 =	sshra.s32 s21, $0x2;
	s17 =	smul.u32 $0x44, s24;
	v33 =	vld [tilespmem:s16+$0x8000]  }
0x119: {  	s31 =	simm.s32 $0x1;
	s30 =	sshra.s32 s28, $0x2;
	v34 =	vld [tilespmem:s26+$0x8000]  }
0x11a: {  	v38 =	vmov s14;
	v36 =	vmov s31;
	v37 =	vld [tilespmem:s30+$0x8000];
	s29 =	sshra.s32 s17, $0x2  }
0x11b: {  	v55 =	vshll.u32 v38, $0x3;
	v24 =	vld [tilespmem:s29+$0x8000];
	[tilespmem:v28+s10+$0x0] =	vst.idx.msk $0xffff, v36  }
0x11c: {  	v38 =	vand.u32 $0x70, v38;
	v28 =	vand.u32 $0xC00, v55;
	v25 =	vld.idx.msk [tilespmem:v25+s10+$0x0], $0xffff  }
0x11d: {  	v28 =	vor.u32 v38, v28  }
0x11e: {  	v28 =	vadd.s32 v4, v28;
	_ =	sdelay $0x2  }
0x11f: {  	vm0 =	veq.s32 v25, s31  }
0x120: {  	s19 =	simm.s32 $0x2;
	v25 =	vnsel vm0, $0x0, v0  }
0x121: {  	v56 =	vmov s19;
	[tilespmem:v28+s11+$0x0] =	vst.idx.msk $0xffff, v25  }
0x122: {  	v57 =	vshll.u32 v36, $0x3;
	[tilespmem:v33+s10+$0x0] =	vst.idx.msk $0xffff, v56  }
0x123: {  	v58 =	vand.u32 $0x71, v36;
	v25 =	vand.u32 $0xC00, v57;
	v27 =	vld.idx.msk [tilespmem:v27+s10+$0x0], $0xffff  }
0x124: {  	v25 =	vor.u32 v58, v25  }
0x125: {  	v25 =	vadd.s32 v4, v25;
	_ =	sdelay $0x2  }
0x126: {  	vm4 =	veq.s32 v27, s19  }
0x127: {  	s20 =	simm.s32 $0x3;
	v27 =	vnsel vm4, $0x0, v0  }
0x128: {  	v59 =	vmov s20;
	[tilespmem:v25+s11+$0x0] =	vst.idx.msk $0xffff, v27  }
0x129: {  	v60 =	vshll.u32 v56, $0x3;
	[tilespmem:v32+s10+$0x0] =	vst.idx.msk $0xffff, v59  }
0x12a: {  	v61 =	vand.u32 $0x72, v56;
	v25 =	vand.u32 $0xC00, v60;
	v26 =	vld.idx.msk [tilespmem:v26+s10+$0x0], $0xffff  }
0x12b: {  	v25 =	vor.u32 v61, v25  }
0x12c: {  	v25 =	vadd.s32 v4, v25;
	_ =	sdelay $0x2  }
0x12d: {  	vm5 =	veq.s32 v26, s20  }
0x12e: {  	s21 =	simm.s32 $0x4;
	v26 =	vnsel vm5, $0x0, v0  }
0x12f: {  	v62 =	vmov s21;
	[tilespmem:v25+s11+$0x0] =	vst.idx.msk $0xffff, v26  }
0x130: {  	v63 =	vshll.u32 v59, $0x3;
	[tilespmem:v31+s10+$0x0] =	vst.idx.msk $0xffff, v62  }
0x131: {  	v32 =	vand.u32 $0x73, v59;
	v25 =	vand.u32 $0xC00, v63;
	v23 =	vld.idx.msk [tilespmem:v23+s10+$0x0], $0xffff  }
0x132: {  	v25 =	vor.u32 v32, v25  }
0x133: {  	v25 =	vadd.s32 v4, v25;
	_ =	sdelay $0x2  }
0x134: {  	vm6 =	veq.s32 v23, s21  }
0x135: {  	s22 =	simm.s32 $0x5;
	v23 =	vnsel vm6, $0x0, v0  }
0x136: {  	v33 =	vmov s22;
	[tilespmem:v25+s11+$0x0] =	vst.idx.msk $0xffff, v23  }
0x137: {  	v36 =	vshll.u32 v62, $0x3;
	[tilespmem:v37+s10+$0x0] =	vst.idx.msk $0xffff, v33  }
0x138: {  	v23 =	vand.u32 $0xC00, v36;
	v37 =	vand.u32 $0x74, v62;
	v20 =	vld.idx.msk [tilespmem:v20+s10+$0x0], $0xffff  }
0x139: {  	v23 =	vor.u32 v37, v23  }
0x13a: {  	v23 =	vadd.s32 v4, v23;
	_ =	sdelay $0x2  }
0x13b: {  	vm7 =	veq.s32 v20, s22  }
0x13c: {  	s23 =	simm.s32 $0x6;
	v20 =	vnsel vm7, $0x0, v0  }
0x13d: {  	v38 =	vmov s23;
	[tilespmem:v23+s11+$0x0] =	vst.idx.msk $0xffff, v20  }
0x13e: {  	v39 =	vshll.u32 v33, $0x3;
	[tilespmem:v35+s10+$0x0] =	vst.idx.msk $0xffff, v38  }
0x13f: {  	v40 =	vand.u32 $0x75, v33;
	v20 =	vand.u32 $0xC00, v39;
	v19 =	vld.idx.msk [tilespmem:v19+s10+$0x0], $0xffff  }
0x140: {  	v20 =	vor.u32 v40, v20  }
0x141: {  	v20 =	vadd.s32 v4, v20;
	_ =	sdelay $0x2  }
0x142: {  	vm8 =	veq.s32 v19, s23  }
0x143: {  	s24 =	simm.s32 $0x7;
	v19 =	vnsel vm8, $0x0, v0  }
0x144: {  	v41 =	vmov s24;
	[tilespmem:v20+s11+$0x0] =	vst.idx.msk $0xffff, v19  }
0x145: {  	v42 =	vshll.u32 v38, $0x3;
	[tilespmem:v29+s10+$0x0] =	vst.idx.msk $0xffff, v41  }
0x146: {  	v43 =	vand.u32 $0x76, v38;
	v19 =	vand.u32 $0xC00, v42;
	v18 =	vld.idx.msk [tilespmem:v18+s10+$0x0], $0xffff  }
0x147: {  	v19 =	vor.u32 v43, v19  }
0x148: {  	v19 =	vadd.s32 v4, v19;
	_ =	sdelay $0x2  }
0x149: {  	vm9 =	veq.s32 v18, s24  }
0x14a: {  	s25 =	simm.s32 $0x8;
	v18 =	vnsel vm9, $0x0, v0  }
0x14b: {  	v44 =	vmov s25;
	[tilespmem:v19+s11+$0x0] =	vst.idx.msk $0xffff, v18  }
0x14c: {  	v45 =	vshll.u32 v41, $0x3;
	[tilespmem:v30+s10+$0x0] =	vst.idx.msk $0xffff, v44  }
0x14d: {  	v46 =	vand.u32 $0x77, v41;
	v18 =	vand.u32 $0xC00, v45;
	v16 =	vld.idx.msk [tilespmem:v16+s10+$0x0], $0xffff  }
0x14e: {  	v18 =	vor.u32 v46, v18  }
0x14f: {  	v18 =	vadd.s32 v4, v18;
	_ =	sdelay $0x2  }
0x150: {  	vm10 =	veq.s32 v16, s25  }
0x151: {  	s26 =	simm.s32 $0x9;
	v16 =	vnsel vm10, $0x0, v0  }
0x152: {  	v47 =	vmov s26;
	[tilespmem:v18+s11+$0x0] =	vst.idx.msk $0xffff, v16  }
0x153: {  	v48 =	vshll.u32 v44, $0x3;
	[tilespmem:v22+s10+$0x0] =	vst.idx.msk $0xffff, v47  }
0x154: {  	v49 =	vand.u32 $0x78, v44;
	v16 =	vand.u32 $0xC00, v48;
	v14 =	vld.idx.msk [tilespmem:v14+s10+$0x0], $0xffff  }
0x155: {  	v16 =	vor.u32 v49, v16  }
0x156: {  	v16 =	vadd.s32 v4, v16;
	_ =	sdelay $0x2  }
0x157: {  	vm11 =	veq.s32 v14, s26  }
0x158: {  	s28 =	simm.s32 $0xA;
	v14 =	vnsel vm11, $0x0, v0  }
0x159: {  	v50 =	vmov s28;
	[tilespmem:v16+s11+$0x0] =	vst.idx.msk $0xffff, v14  }
0x15a: {  	v51 =	vshll.u32 v47, $0x3;
	[tilespmem:v34+s10+$0x0] =	vst.idx.msk $0xffff, v50  }
0x15b: {  	v52 =	vand.u32 $0x79, v47;
	v14 =	vand.u32 $0xC00, v51;
	v12 =	vld.idx.msk [tilespmem:v12+s10+$0x0], $0xffff  }
0x15c: {  	v14 =	vor.u32 v52, v14  }
0x15d: {  	v14 =	vadd.s32 v4, v14;
	_ =	sdelay $0x2  }
0x15e: {  	vm12 =	veq.s32 v12, s28  }
0x15f: {  	s29 =	simm.s32 $0xB;
	v12 =	vnsel vm12, $0x0, v0  }
0x160: {  	v53 =	vmov s29;
	[tilespmem:v14+s11+$0x0] =	vst.idx.msk $0xffff, v12  }
0x161: {  	v54 =	vshll.u32 v50, $0x3;
	[tilespmem:v21+s10+$0x0] =	vst.idx.msk $0xffff, v53  }
0x162: {  	v55 =	vand.u32 $0x7A, v50;
	v12 =	vand.u32 $0xC00, v54;
	v11 =	vld.idx.msk [tilespmem:v11+s10+$0x0], $0xffff  }
0x163: {  	v12 =	vor.u32 v55, v12  }
0x164: {  	v12 =	vadd.s32 v4, v12;
	_ =	sdelay $0x2  }
0x165: {  	vm13 =	veq.s32 v11, s29  }
0x166: {  	s30 =	simm.s32 $0xC;
	v11 =	vnsel vm13, $0x0, v0  }
0x167: {  	v56 =	vmov s30;
	[tilespmem:v12+s11+$0x0] =	vst.idx.msk $0xffff, v11  }
0x168: {  	v11 =	vshll.u32 v53, $0x3;
	[tilespmem:v24+s10+$0x0] =	vst.idx.msk $0xffff, v56  }
0x169: {  	v57 =	vand.u32 $0x7B, v53;
	v11 =	vand.u32 $0xC00, v11;
	v13 =	vld.idx.msk [tilespmem:v13+s10+$0x0], $0xffff  }
0x16a: {  	v11 =	vor.u32 v57, v11  }
0x16b: {  	v11 =	vadd.s32 v4, v11;
	_ =	sdelay $0x2  }
0x16c: {  	vm14 =	veq.s32 v13, s30  }
0x16d: {  	s31 =	simm.s32 $0xD;
	v58 =	vnsel vm14, $0x0, v0  }
0x16e: {  	v59 =	vmov s31;
	[tilespmem:v11+s11+$0x0] =	vst.idx.msk $0xffff, v58  }
0x16f: {  	v11 =	vshll.u32 v56, $0x3;
	[tilespmem:v17+s10+$0x0] =	vst.idx.msk $0xffff, v59  }
0x170: {  	v60 =	vand.u32 $0x7C, v56;
	v11 =	vand.u32 $0xC00, v11;
	v10 =	vld.idx.msk [tilespmem:v10+s10+$0x0], $0xffff  }
0x171: {  	v11 =	vor.u32 v60, v11  }
0x172: {  	v11 =	vadd.s32 v4, v11;
	_ =	sdelay $0x2  }
0x173: {  	s18 =	simm.s32 $0xE;
	vm15 =	veq.s32 v10, s31  }
0x174: {  	v61 =	vmov s18;
	v10 =	vnsel vm15, $0x0, v0  }
0x175: {  	v62 =	vshll.u32 v59, $0x3;
	v12 =	vand.u32 $0x7E, v61;
	[tilespmem:v11+s11+$0x0] =	vst.idx.msk $0xffff, v10;
	v10 =	vshll.u32 v61, $0x3  }
0x176: {  	v13 =	vand.u32 $0x7D, v59;
	v11 =	vand.u32 $0xC00, v62;
	[tilespmem:v15+s10+$0x0] =	vst.idx.msk $0xffff, v61;
	v63 =	vand.u32 $0xC00, v10  }
0x177: {  	s16 =	simm.s32 $0x10;
	s17 =	simm.s32 $0x10;
	v10 =	vor.u32 v13, v11;
	v11 =	vld.idx.msk [tilespmem:v9+s10+$0x0], $0xffff;
	v9 =	vor.u32 v12, v63  }
.LBB2_6:
0x178: {  	p0 =	sne.s32 s17, $0x1F0  }
0x179: {  	s15 =	sadd.s32 $0x110, s15;
	s19 =	smov.u32 s17;
	s17 =	sadd.s32 $0x10, s17  }
0x17a: {  	v10 =	vadd.s32 v4, v10;
	_ =	sdelay $0x3  }
0x17b: {  	s20 =	sadd.s32 $0xF, s14;
	s14 =	smov.u32 s19;
	vm0 =	veq.s32 v11, s18  }
0x17c: {  	v12 =	vmov s20;
	v11 =	vnsel vm0, $0x0, v0  }
0x17d: {  	[tilespmem:v10+s11+$0x0] =	vst.idx.msk $0xffff, v11;
	v10 =	vand.u32 $0x7F, v12;
	v11 =	vshll.u32 v12, $0x3  }
0x17e: {  	[tilespmem:v8+s10+$0x0] =	vst.idx.msk $0xffff, v12;
	v8 =	vand.u32 $0xC00, v11  }
0x17f: {  	v6 =	vld.idx.msk [tilespmem:v6+s10+$0x0], $0xffff;
	v8 =	vor.u32 v10, v8;
	_ =	sdelay $0x1  }
0x180: {  	v9 =	vadd.s32 v4, v9;
	_ =	sdelay $0x3  }
0x181: {  	vm0 =	veq.s32 v6, s20  }
0x182: {  	v10 =	vmov s16;
	v6 =	vnsel vm0, $0x0, v0  }
0x183: {  	[tilespmem:v9+s11+$0x0] =	vst.idx.msk $0xffff, v6  }
0x184: {  	[tilespmem:v7+s10+$0x0] =	vst.idx.msk $0xffff, v10  }
0x185: {  	v5 =	vld.idx.msk [tilespmem:v5+s10+$0x0], $0xffff;
	_ =	sdelay $0x1  }
0x186: {  	v6 =	vadd.s32 v4, v8;
	_ =	sdelay $0x3  }
0x187: {  	vm0 =	veq.s32 v5, s16;
	s16 =	smov.u32 s17  }
0x188: {  	v5 =	vnsel vm0, $0x0, v0  }
0x189: {  	[tilespmem:v6+s11+$0x0] =	vst.idx.msk $0xffff, v5  }
0x18a: {  	v10 =	vld [tilespmem:s15+$0x44]  }
0x18b: {  	v9 =	vld [tilespmem:s15+$0x55]  }
0x18c: {  	v5 =	vld [tilespmem:s15+$0x77]  }
0x18d: {  	v6 =	vld [tilespmem:s15+$0x66]  }
0x18e: {  	v28 =	vld [tilespmem:s15+$0xFFFFFF78]  }
0x18f: {  	v15 =	vld [tilespmem:s15+$0x0];
	v7 =	vperm.xlane v10, v1  }
0x190: {  	v11 =	vld [tilespmem:s15+$0x22];
	v8 =	vperm.xlane v9, v1  }
0x191: {  	v12 =	vld [tilespmem:s15+$0x11];
	v13 =	vperm.xlane v5, v1;
	(v2sf) =	vpush v7, $0x0  }
0x192: {  	v17 =	vld [tilespmem:s15+$0xFFFFFFEF];
	v7 =	vperm.xlane v6, v1;
	(v2sf) =	vpush v8, $0x0  }
0x193: {  	v8 =	vperm.xlane v28, v1;
	v18 =	vld [tilespmem:s15+$0xFFFFFFDE];
	(v2sf) =	vpush v13, $0x0  }
0x194: {  	v13 =	vperm.xlane v15, v1;
	(v2sf) =	vpush v7, $0x0  }
0x195: {  	v7 =	vperm.xlane v11, v1;
	(v2sf) =	vpush v8, $0x0  }
0x196: {  	v19 =	vld [tilespmem:s15+$0xFFFFFFCD];
	v8 =	vperm.xlane v12, v1;
	(v2sf) =	vpush v13, $0x0  }
0x197: {  	v22 =	vld [tilespmem:s15+$0xFFFFFFBC];
	v13 =	vperm.xlane v17, v1;
	(v2sf) =	vpush v7, $0x0  }
0x198: {  	v25 =	vld [tilespmem:s15+$0xFFFFFFAB];
	v7 =	vperm.xlane v18, v1;
	(v2sf) =	vpush v8, $0x0  }
0x199: {  	v27 =	vld [tilespmem:s15+$0xFFFFFF9A];
	(v2sf) =	vpush v13, $0x0  }
0x19a: {  	v30 =	vld [tilespmem:s15+$0xFFFFFF89];
	(v2sf) =	vpush v7, $0x0  }
0x19b: {  	v7 =	vperm.xlane v19, v1  }
0x19c: {  	v8 =	vperm.xlane v22, v1  }
0x19d: {  	v14 =	vperm.xlane v25, v1;
	(v2sf) =	vpush v7, $0x0  }
0x19e: {  	v7 =	vperm.xlane v27, v1;
	v13 =	vld [tilespmem:s15+$0x33];
	(v2sf) =	vpush v8, $0x0  }
0x19f: {  	v8 =	vperm.xlane v30, v1;
	(v2sf) =	vpush v14, $0x0  }
0x1a0: {  	(v2sf) =	vpush v7, $0x0;
	s18 =	spop (v2sf)  }
0x1a1: {  	s18 =	sshra.s32 s18, $0x6;
	(v2sf) =	vpush v8, $0x0;
	s19 =	spop (v2sf)  }
0x1a2: {  	s18 =	smul.u32 $0x44, s18;
	s19 =	sshra.s32 s19, $0x6;
	s20 =	spop (v2sf)  }
0x1a3: {  	v7 =	vperm.xlane v13, v1;
	s19 =	smul.u32 $0x44, s19;
	s20 =	sshra.s32 s20, $0x6;
	s21 =	spop (v2sf)  }
0x1a4: {  	s21 =	sshra.s32 s21, $0x6;
	s20 =	smul.u32 $0x44, s20;
	s22 =	spop (v2sf)  }
0x1a5: {  	s18 =	sshra.s32 s18, $0x2;
	s22 =	sshra.s32 s22, $0x6;
	s23 =	spop (v2sf);
	(v2sf) =	vpush v7, $0x0  }
0x1a6: {  	s21 =	smul.u32 $0x44, s21;
	s23 =	sshra.s32 s23, $0x6;
	s24 =	spop (v2sf)  }
0x1a7: {  	s22 =	smul.u32 $0x44, s22;
	s24 =	sshra.s32 s24, $0x6;
	s25 =	spop (v2sf)  }
0x1a8: {  	s19 =	sshra.s32 s19, $0x2;
	s23 =	smul.u32 $0x44, s23;
	s26 =	spop (v2sf)  }
0x1a9: {  	s25 =	sshra.s32 s25, $0x6;
	s26 =	sshra.s32 s26, $0x6;
	s28 =	spop (v2sf)  }
0x1aa: {  	s23 =	sshra.s32 s23, $0x2;
	s28 =	sshra.s32 s28, $0x6;
	s26 =	smul.u32 $0x44, s26;
	v14 =	vld [tilespmem:s19+$0x8000]  }
0x1ab: {  	s19 =	sshra.s32 s22, $0x2;
	s22 =	smul.u32 $0x44, s28;
	v16 =	vld [tilespmem:s18+$0x8000];
	s18 =	sshra.s32 s20, $0x2  }
0x1ac: {  	s24 =	smul.u32 $0x44, s24;
	s20 =	sshra.s32 s26, $0x2;
	s26 =	spop (v2sf)  }
0x1ad: {  	s26 =	sshra.s32 s26, $0x6;
	s22 =	sshra.s32 s22, $0x2;
	v23 =	vld [tilespmem:s23+$0x8000];
	s23 =	spop (v2sf)  }
0x1ae: {  	v31 =	vld [tilespmem:s19+$0x8000];
	s19 =	sshra.s32 s23, $0x6;
	s23 =	sshra.s32 s24, $0x2;
	s24 =	spop (v2sf)  }
0x1af: {  	s24 =	sshra.s32 s24, $0x6;
	s19 =	smul.u32 $0x44, s19;
	v7 =	vld [tilespmem:s18+$0x8000];
	s18 =	spop (v2sf)  }
0x1b0: {  	s18 =	sshra.s32 s18, $0x6;
	s24 =	smul.u32 $0x44, s24;
	v29 =	vld [tilespmem:s22+$0x8000];
	s22 =	spop (v2sf)  }
0x1b1: {  	s22 =	sshra.s32 s22, $0x6;
	s18 =	smul.u32 $0x44, s18;
	s19 =	sshra.s32 s19, $0x2;
	v26 =	vld [tilespmem:s20+$0x8000]  }
0x1b2: {  	s21 =	sshra.s32 s21, $0x2;
	s20 =	smul.u32 $0x44, s22;
	s22 =	sshra.s32 s24, $0x2;
	v20 =	vld [tilespmem:s23+$0x8000]  }
0x1b3: {  	s23 =	smul.u32 $0x44, s26;
	s18 =	sshra.s32 s18, $0x2;
	v8 =	vld [tilespmem:s21+$0x8000]  }
0x1b4: {  	s21 =	smul.u32 $0x44, s25;
	s20 =	sshra.s32 s20, $0x2;
	v32 =	vld [tilespmem:s22+$0x8000];
	s22 =	spop (v2sf)  }
0x1b5: {  	v33 =	vld [tilespmem:s18+$0x8000];
	s18 =	sshra.s32 s23, $0x2;
	s22 =	sshra.s32 s22, $0x6  }
0x1b6: {  	v34 =	vld [tilespmem:s20+$0x8000];
	s20 =	sshra.s32 s21, $0x2;
	s21 =	smul.u32 $0x44, s22  }
0x1b7: {  	v24 =	vld [tilespmem:s20+$0x8000]  }
0x1b8: {  	s20 =	sadd.s32 $0x1, s14;
	v35 =	vld [tilespmem:s18+$0x8000];
	s18 =	sshra.s32 s21, $0x2  }
0x1b9: {  	v36 =	vmov s20;
	v21 =	vld [tilespmem:s18+$0x8000]  }
0x1ba: {  	v38 =	vmov s14;
	v39 =	vshll.u32 v36, $0x3;
	v37 =	vld [tilespmem:s19+$0x8000]  }
0x1bb: {  	v39 =	vand.u32 $0xC00, v39;
	[tilespmem:v31+s10+$0x0] =	vst.idx.msk $0xffff, v36;
	v31 =	vshll.u32 v38, $0x3;
	v36 =	vand.u32 $0x71, v36  }
0x1bc: {  	v38 =	vand.u32 $0x70, v38;
	v28 =	vld.idx.msk [tilespmem:v28+s10+$0x0], $0xffff;
	v31 =	vand.u32 $0xC00, v31;
	v36 =	vor.u32 v36, v39  }
0x1bd: {  	v31 =	vor.u32 v38, v31  }
0x1be: {  	v31 =	vadd.s32 v4, v31;
	_ =	sdelay $0x3  }
0x1bf: {  	s18 =	sadd.s32 $0x2, s14;
	vm0 =	veq.s32 v28, s20  }
0x1c0: {  	v38 =	vmov s18;
	v28 =	vnsel vm0, $0x0, v0  }
0x1c1: {  	[tilespmem:v31+s11+$0x0] =	vst.idx.msk $0xffff, v28;
	v28 =	vshll.u32 v38, $0x3  }
0x1c2: {  	v31 =	vand.u32 $0x72, v38;
	[tilespmem:v34+s10+$0x0] =	vst.idx.msk $0xffff, v38;
	v28 =	vand.u32 $0xC00, v28  }
0x1c3: {  	v30 =	vld.idx.msk [tilespmem:v30+s10+$0x0], $0xffff;
	v28 =	vor.u32 v31, v28;
	_ =	sdelay $0x1  }
0x1c4: {  	v31 =	vadd.s32 v4, v36;
	_ =	sdelay $0x3  }
0x1c5: {  	s19 =	sadd.s32 $0x3, s14;
	vm0 =	veq.s32 v30, s18  }
0x1c6: {  	v34 =	vmov s19;
	v30 =	vnsel vm0, $0x0, v0  }
0x1c7: {  	[tilespmem:v31+s11+$0x0] =	vst.idx.msk $0xffff, v30;
	v30 =	vshll.u32 v34, $0x3  }
0x1c8: {  	v31 =	vand.u32 $0x73, v34;
	[tilespmem:v33+s10+$0x0] =	vst.idx.msk $0xffff, v34;
	v30 =	vand.u32 $0xC00, v30  }
0x1c9: {  	v27 =	vld.idx.msk [tilespmem:v27+s10+$0x0], $0xffff;
	v30 =	vor.u32 v31, v30;
	_ =	sdelay $0x1  }
0x1ca: {  	v28 =	vadd.s32 v4, v28;
	_ =	sdelay $0x3  }
0x1cb: {  	s18 =	sadd.s32 $0x4, s14;
	vm0 =	veq.s32 v27, s19  }
0x1cc: {  	v31 =	vmov s18;
	v27 =	vnsel vm0, $0x0, v0  }
0x1cd: {  	[tilespmem:v28+s11+$0x0] =	vst.idx.msk $0xffff, v27;
	v27 =	vshll.u32 v31, $0x3  }
0x1ce: {  	v28 =	vand.u32 $0x74, v31;
	[tilespmem:v32+s10+$0x0] =	vst.idx.msk $0xffff, v31;
	v27 =	vand.u32 $0xC00, v27  }
0x1cf: {  	v25 =	vld.idx.msk [tilespmem:v25+s10+$0x0], $0xffff;
	v27 =	vor.u32 v28, v27;
	_ =	sdelay $0x1  }
0x1d0: {  	v28 =	vadd.s32 v4, v30;
	_ =	sdelay $0x3  }
0x1d1: {  	s19 =	sadd.s32 $0x5, s14;
	vm0 =	veq.s32 v25, s18  }
0x1d2: {  	v30 =	vmov s19;
	v25 =	vnsel vm0, $0x0, v0  }
0x1d3: {  	[tilespmem:v28+s11+$0x0] =	vst.idx.msk $0xffff, v25;
	v25 =	vshll.u32 v30, $0x3  }
0x1d4: {  	v28 =	vand.u32 $0x75, v30;
	[tilespmem:v37+s10+$0x0] =	vst.idx.msk $0xffff, v30;
	v25 =	vand.u32 $0xC00, v25  }
0x1d5: {  	v22 =	vld.idx.msk [tilespmem:v22+s10+$0x0], $0xffff;
	v25 =	vor.u32 v28, v25;
	_ =	sdelay $0x1  }
0x1d6: {  	v27 =	vadd.s32 v4, v27;
	_ =	sdelay $0x3  }
0x1d7: {  	s18 =	sadd.s32 $0x6, s14;
	vm0 =	veq.s32 v22, s19  }
0x1d8: {  	v28 =	vmov s18;
	v22 =	vnsel vm0, $0x0, v0  }
0x1d9: {  	[tilespmem:v27+s11+$0x0] =	vst.idx.msk $0xffff, v22;
	v22 =	vshll.u32 v28, $0x3  }
0x1da: {  	[tilespmem:v35+s10+$0x0] =	vst.idx.msk $0xffff, v28;
	v22 =	vand.u32 $0xC00, v22  }
0x1db: {  	v19 =	vld.idx.msk [tilespmem:v19+s10+$0x0], $0xffff;
	_ =	sdelay $0x1  }
0x1dc: {  	v25 =	vadd.s32 v4, v25;
	_ =	sdelay $0x3  }
0x1dd: {  	s19 =	sadd.s32 $0x7, s14;
	vm0 =	veq.s32 v19, s18  }
0x1de: {  	v27 =	vmov s19;
	v19 =	vnsel vm0, $0x0, v0  }
0x1df: {  	[tilespmem:v25+s11+$0x0] =	vst.idx.msk $0xffff, v19;
	v19 =	vshll.u32 v27, $0x3  }
0x1e0: {  	v25 =	vand.u32 $0x77, v27;
	[tilespmem:v29+s10+$0x0] =	vst.idx.msk $0xffff, v27;
	v19 =	vand.u32 $0xC00, v19  }
0x1e1: {  	v27 =	vand.u32 $0x76, v28;
	v18 =	vld.idx.msk [tilespmem:v18+s10+$0x0], $0xffff;
	v19 =	vor.u32 v25, v19  }
0x1e2: {  	v22 =	vor.u32 v27, v22  }
0x1e3: {  	v22 =	vadd.s32 v4, v22;
	_ =	sdelay $0x3  }
0x1e4: {  	s18 =	sadd.s32 $0x8, s14;
	vm0 =	veq.s32 v18, s19  }
0x1e5: {  	v25 =	vmov s18;
	v18 =	vnsel vm0, $0x0, v0  }
0x1e6: {  	[tilespmem:v22+s11+$0x0] =	vst.idx.msk $0xffff, v18;
	v18 =	vshll.u32 v25, $0x3  }
0x1e7: {  	v22 =	vand.u32 $0x78, v25;
	[tilespmem:v26+s10+$0x0] =	vst.idx.msk $0xffff, v25;
	v18 =	vand.u32 $0xC00, v18  }
0x1e8: {  	v17 =	vld.idx.msk [tilespmem:v17+s10+$0x0], $0xffff;
	v18 =	vor.u32 v22, v18;
	_ =	sdelay $0x1  }
0x1e9: {  	v19 =	vadd.s32 v4, v19;
	_ =	sdelay $0x3  }
0x1ea: {  	s19 =	sadd.s32 $0x9, s14;
	vm0 =	veq.s32 v17, s18  }
0x1eb: {  	v22 =	vmov s19;
	v17 =	vnsel vm0, $0x0, v0  }
0x1ec: {  	[tilespmem:v19+s11+$0x0] =	vst.idx.msk $0xffff, v17;
	v17 =	vshll.u32 v22, $0x3  }
0x1ed: {  	v19 =	vand.u32 $0x79, v22;
	[tilespmem:v23+s10+$0x0] =	vst.idx.msk $0xffff, v22;
	v17 =	vand.u32 $0xC00, v17  }
0x1ee: {  	v15 =	vld.idx.msk [tilespmem:v15+s10+$0x0], $0xffff;
	v17 =	vor.u32 v19, v17;
	_ =	sdelay $0x1  }
0x1ef: {  	v18 =	vadd.s32 v4, v18;
	_ =	sdelay $0x3  }
0x1f0: {  	s18 =	sadd.s32 $0xA, s14;
	vm0 =	veq.s32 v15, s19  }
0x1f1: {  	v19 =	vmov s18;
	v15 =	vnsel vm0, $0x0, v0  }
0x1f2: {  	[tilespmem:v18+s11+$0x0] =	vst.idx.msk $0xffff, v15;
	v15 =	vshll.u32 v19, $0x3  }
0x1f3: {  	v18 =	vand.u32 $0x7A, v19;
	[tilespmem:v24+s10+$0x0] =	vst.idx.msk $0xffff, v19;
	v15 =	vand.u32 $0xC00, v15  }
0x1f4: {  	v12 =	vld.idx.msk [tilespmem:v12+s10+$0x0], $0xffff;
	v15 =	vor.u32 v18, v15;
	_ =	sdelay $0x1  }
0x1f5: {  	v17 =	vadd.s32 v4, v17;
	_ =	sdelay $0x3  }
0x1f6: {  	s19 =	sadd.s32 $0xB, s14;
	vm0 =	veq.s32 v12, s18  }
0x1f7: {  	v18 =	vmov s19;
	v12 =	vnsel vm0, $0x0, v0  }
0x1f8: {  	[tilespmem:v17+s11+$0x0] =	vst.idx.msk $0xffff, v12;
	v12 =	vshll.u32 v18, $0x3  }
0x1f9: {  	v17 =	vand.u32 $0x7B, v18;
	[tilespmem:v20+s10+$0x0] =	vst.idx.msk $0xffff, v18;
	v12 =	vand.u32 $0xC00, v12  }
0x1fa: {  	v11 =	vld.idx.msk [tilespmem:v11+s10+$0x0], $0xffff;
	v12 =	vor.u32 v17, v12;
	_ =	sdelay $0x1  }
0x1fb: {  	v15 =	vadd.s32 v4, v15;
	_ =	sdelay $0x3  }
0x1fc: {  	s18 =	sadd.s32 $0xC, s14;
	vm0 =	veq.s32 v11, s19  }
0x1fd: {  	v17 =	vmov s18;
	v11 =	vnsel vm0, $0x0, v0  }
0x1fe: {  	[tilespmem:v15+s11+$0x0] =	vst.idx.msk $0xffff, v11;
	v11 =	vshll.u32 v17, $0x3  }
0x1ff: {  	v15 =	vand.u32 $0x7C, v17;
	[tilespmem:v21+s10+$0x0] =	vst.idx.msk $0xffff, v17;
	v11 =	vand.u32 $0xC00, v11  }
0x200: {  	v13 =	vld.idx.msk [tilespmem:v13+s10+$0x0], $0xffff;
	v11 =	vor.u32 v15, v11;
	_ =	sdelay $0x1  }
0x201: {  	v12 =	vadd.s32 v4, v12;
	_ =	sdelay $0x3  }
0x202: {  	s19 =	sadd.s32 $0xD, s14;
	vm0 =	veq.s32 v13, s18  }
0x203: {  	v15 =	vmov s19;
	v13 =	vnsel vm0, $0x0, v0  }
0x204: {  	[tilespmem:v12+s11+$0x0] =	vst.idx.msk $0xffff, v13;
	v12 =	vshll.u32 v15, $0x3  }
0x205: {  	v13 =	vand.u32 $0x7D, v15;
	[tilespmem:v16+s10+$0x0] =	vst.idx.msk $0xffff, v15;
	v12 =	vand.u32 $0xC00, v12  }
0x206: {  	v15 =	vld.idx.msk [tilespmem:v10+s10+$0x0], $0xffff;
	v10 =	vor.u32 v13, v12;
	_ =	sdelay $0x1  }
0x207: {  	v11 =	vadd.s32 v4, v11;
	_ =	sdelay $0x3  }
.Ltmp2:
0x208: {  	s18 =	sadd.s32 $0xE, s14;
	vm0 =	veq.s32 v15, s19;
	(pc) =	sbr.rel @p0 .LBB2_6-.Ltmp2, $4  }
0x209: {  	v13 =	vmov s18;
	v12 =	vnsel vm0, $0x0, v0  }
0x20a: {  	[tilespmem:v11+s11+$0x0] =	vst.idx.msk $0xffff, v12;
	v11 =	vshll.u32 v13, $0x3  }
0x20b: {  	v12 =	vand.u32 $0x7E, v13;
	[tilespmem:v14+s10+$0x0] =	vst.idx.msk $0xffff, v13;
	v13 =	vand.u32 $0xC00, v11  }
0x20c: {  	v11 =	vld.idx.msk [tilespmem:v9+s10+$0x0], $0xffff;
	v9 =	vor.u32 v12, v13  }
0x20d: {  	_ = 	snop  }
0x20e: {  	v10 =	vadd.s32 v4, v10;
	_ =	sdelay $0x2  }
0x20f: {  	vm0 =	veq.s32 v11, s18  }
0x210: {  	s14 =	sadd.s32 $0xF, s14;
	v11 =	vnsel vm0, $0x0, v0  }
0x211: {  	v12 =	vmov s14;
	[tilespmem:v10+s11+$0x0] =	vst.idx.msk $0xffff, v11  }
0x212: {  	[tilespmem:v8+s10+$0x0] =	vst.idx.msk $0xffff, v12  }
0x213: {  	v6 =	vld.idx.msk [tilespmem:v6+s10+$0x0], $0xffff;
	_ =	sdelay $0x1  }
0x214: {  	v62 =	vadd.s32 v4, v9;
	_ =	sdelay $0x2  }
0x215: {  	vm14 =	veq.s32 v6, s14  }
0x216: {  	v6 =	vnsel vm14, $0x0, v0  }
0x217: {  	v63 =	vmov s16;
	[tilespmem:v62+s11+$0x0] =	vst.idx.msk $0xffff, v6  }
0x218: {  	v6 =	vshll.u32 v12, $0x3;
	[tilespmem:v7+s10+$0x0] =	vst.idx.msk $0xffff, v63  }
0x219: {  	v7 =	vand.u32 $0x7F, v12;
	v6 =	vand.u32 $0xC00, v6;
	v5 =	vld.idx.msk [tilespmem:v5+s10+$0x0], $0xffff  }
0x21a: {  	v6 =	vor.u32 v7, v6  }
0x21b: {  	v6 =	vadd.s32 v4, v6;
	_ =	sdelay $0x2  }
0x21c: {  	vm15 =	veq.s32 v5, s16  }
0x21d: {  	s13 =	sadd.s32 $0x1, s13;
	v5 =	vnsel vm15, $0x0, v0  }
0x21e: {  	p0 =	sne.s32 s13, s6;
	[tilespmem:v6+s11+$0x0] =	vst.idx.msk $0xffff, v5  }
0x21f: {  	[hbm4b:s5+s2] =	stream.linear.scatter [tilespmem:s11], [sflag:$0x1], $0x1000, $0x38;
	[tilespmem:$0x14A00] =	vst v63  }
.Ltmp3:
0x220: {  	s31 =	sadd.s32 $0x400, s5;
	(pc) =	sbr.rel @p0 .LBB2_1-.Ltmp3, $4  }
0x221: {  	[hbm4b:s31+s2] =	stream.linear.scatter [tilespmem:s12], [sflag:$0x1], $0x1000, $0x38;
	[tilespmem:$0x14A00] =	vst v63  }
0x222: {  	_ =	swait.ge [sflag:s7], $0x2000  }
0x223: {  	[sflag:s7] =	ssyncset.done $0x0  }
0x224: {  	[sflag:s7] =	ssyncadd.s32 $0xFFFFE000  }
0x225: {  	_ =	sfence.sel $0x180000  }
0x226: {  	[bflag:$0x0] =	sbarrier.arrive $0xFFFF  }
0x227: {  	p0 =	sne.s32 s0, $0x0;
	_ =	strace $0x90000047  }
0x228: {  	s0 =	sadd.s32 @!p0 $0x100000, s1;
	[bflag:$0x2] =	sbarrier.arrive $0xFFFF  }
0x229: {  	[sflag:s0] =	ssyncadd.tile.s32 @!p0 $0x1;
	_ =	shalt  }
.Lfunc_end2:
_tile_overlayer_lowered:
.L_overlay_start_2:
0x22a: {  	(tag) =	ssettag $0x2  }
0x22b: {  	s0 =	rddreg [dreg:$0x0];
	s2 =	stileid.u32  }
0x22c: {  	s1 =	rddreg [dreg:$0x1];
	p0 =	sne.s32 s2, $0x0  }
0x22d: {  	s3 =	rddreg [dreg:$0x2];
	[bflag:$0x3] =	sbarrier.arrive $0xFFFF;
	s2 =	simm.s32 @!p0 $0x1C01  }
0x22e: {  	[timem:s3], [sflag:s2] =	dma.local @!p0 [hbm:s0], s1  }
0x22f: {  	s0 =	simm.s32 @!p0 $0x1  }
0x230: {  	_ =	swait.ge @!p0 [sflag:s0], s1  }
0x231: {  	s1 =	ssub.s32 @!p0 $0x0, s1;
	[sflag:s0] =	ssyncset.done @!p0 $0x0  }
0x232: {  	[sflag:s0] =	ssyncadd.s32 @!p0 s1  }
0x233: {  	[bflag:$0x3] =	sbarrier.arrive $0xFFFF  }
0x234: {  	_ =	shalt  }

</sc_bundles>
